<compile_context>
chip_gen: v7x
topology: tpu7x:2x2x1
jax: 0.10.2.dev20260603
libtpu: 0.0.44.dev20260713+nightly
codegen_flags: <defaults>
</compile_context>

<pallas_src>
import functools

import jax
import jax.numpy as jnp
from jax import lax
from jax.experimental import pallas as pl
from jax.experimental.pallas import tpu as pltpu
from jax.experimental.pallas import tpu_sc as plsc

DIM = 1024
NUM_ROWS = 5
LANES = 16
NC, NS = 2, 16
NW = NC * NS
REP = 16
POSCAP = 1088
QMAX = 24
BIG = 1 << 30
BIGF = 3.4e38


def _sc_embed(ids_flat, tbl_flat, scale, n):
    n_per_w = n // NW
    nvec = n_per_w // LANES
    mesh = plsc.VectorSubcoreMesh(
        core_axis_name="c", subcore_axis_name="s", num_cores=NC, num_subcores=NS
    )

    @functools.partial(
        pl.kernel,
        out_type=jax.ShapeDtypeStruct((n, DIM), jnp.float32),
        mesh=mesh,
        compiler_params=pltpu.CompilerParams(needs_layout_passes=False),
        scratch_types=[
            pltpu.VMEM((n_per_w,), jnp.int32),
            pltpu.VMEM((LANES,), jnp.float32),
            pltpu.VMEM((NUM_ROWS * DIM,), jnp.float32),
            pltpu.VMEM((NUM_ROWS * REP, DIM), jnp.float32),
            pltpu.VMEM((NUM_ROWS * POSCAP,), jnp.int32),
            pltpu.SemaphoreType.DMA,
        ],
    )
    def k(ids_hbm, tbl_hbm, scl_hbm, out_hbm, idx_v, scl_v, tbl_v,
          blk_v, pos_v, ssem):
        wid = lax.axis_index("s") * NC + lax.axis_index("c")
        base = wid * n_per_w
        pltpu.sync_copy(ids_hbm.at[pl.ds(base, n_per_w)], idx_v)
        pltpu.sync_copy(scl_hbm, scl_v.at[pl.ds(0, 1)])
        pltpu.sync_copy(tbl_hbm, tbl_v)
        iota16 = lax.iota(jnp.int32, LANES)

        raw = scl_v[...]
        sval = jnp.min(jnp.where(iota16 == 0, raw, jnp.float32(BIGF)))
        sv = jnp.broadcast_to(sval, (LANES,))

        def scale_slice(j, _):
            tbl_v[pl.ds(j * LANES, LANES)] = tbl_v[pl.ds(j * LANES, LANES)] * sv
            return 0
        lax.fori_loop(0, NUM_ROWS * DIM // LANES, scale_slice, 0)

        def wait_one():
            pltpu.make_async_copy(
                blk_v.at[pl.ds(0, REP)], out_hbm.at[pl.ds(0, REP)], ssem
            ).wait()

        def modality(m, state):
            start = m * POSCAP

            def rep_body(r, _):
                def cp_r(j, _):
                    blk_v[m * REP + r, pl.ds(j * LANES, LANES)] = tbl_v[
                        pl.ds(m * DIM + j * LANES, LANES)
                    ]
                    return 0
                lax.fori_loop(0, DIM // LANES, cp_r, 0, unroll=8)
                return 0
            lax.fori_loop(0, REP, rep_body, 0)

            def comp(v, cnt):
                ids16 = idx_v[pl.ds(v * LANES, LANES)]
                mask = ids16 == m
                posv = (base + v * LANES) + iota16
                plsc.store_compressed(pos_v.at[pl.ds(start + cnt, LANES)],
                                      posv, mask=mask)
                return cnt + jnp.sum(mask.astype(jnp.int32))

            cnt = lax.fori_loop(0, nvec, comp, jnp.int32(0))

            fl = (cnt >> 4) << 4
            head = pos_v[pl.ds(start, LANES)]
            valid_head = jnp.where(iota16 < jnp.minimum(cnt, LANES), head, BIG)
            pad = jnp.broadcast_to(jnp.min(valid_head), (LANES,))
            tail = pos_v[pl.ds(start + fl, LANES)]
            pos_v[pl.ds(start + fl, LANES)] = jnp.where(
                iota16 < (cnt & 15), tail, pad
            )

            t_m = (cnt + 15) >> 4

            def scat(t, carry):
                issued, waited = carry
                idxvec = pos_v[pl.ds(start + t * LANES, LANES)]
                pltpu.async_copy(
                    blk_v.at[pl.ds(m * REP, REP)], out_hbm.at[idxvec], ssem
                )
                issued = issued + 1

                def throttle(w):
                    wait_one()
                    return w + 1

                waited = lax.cond(issued - waited > QMAX, throttle,
                                  lambda w: w, waited)
                return issued, waited

            return lax.fori_loop(0, t_m, scat, state)

        state = lax.fori_loop(
            0, NUM_ROWS, modality, (jnp.int32(0), jnp.int32(0))
        )
        issued, waited = state

        def drain(i, _):
            wait_one()
            return 0
        lax.fori_loop(0, issued - waited, drain, 0)

    return k(ids_flat, tbl_flat, scale)


def kernel(modality_ids, embed, scale):
    b, s = modality_ids.shape
    n = b * s
    ids_flat = modality_ids.reshape(n).astype(jnp.int32)
    tbl_flat = embed.astype(jnp.float32).reshape(NUM_ROWS * DIM)
    out = _sc_embed(ids_flat, tbl_flat, scale.astype(jnp.float32), n)
    return out.reshape(b, s, DIM)

# --- scband reference (transcript-rebuilt; emitter-appended) ---
"""Pipeline reference for scband-modality-embedding-41403484733885 (READ-ONLY COPY).

The authoritative reference and input builder live on the scoring server;
editing this copy changes nothing except your own understanding.
"""

import jax, jax.numpy as jnp
import numpy as np

DIM = 1024
NUM_MODALITIES = 5
B, S = 4, 8192

def setup_inputs(seed: int = 0) -> dict:
    key = jax.random.key(seed)
    k_ids, k_embed = jax.random.split(key)
    modality_ids = jax.random.randint(k_ids, (B, S), 0, NUM_MODALITIES, dtype=jnp.int64 if jax.config.jax_enable_x64 else jnp.int32)
    embed = jax.random.normal(k_embed, (NUM_MODALITIES, DIM), dtype=jnp.float32)
    scale = jnp.ones((1,), dtype=jnp.float32) * 0.1
    return {"modality_ids": modality_ids, "embed": embed, "scale": scale}

def reference(modality_ids, embed, scale):
    # nn.Embedding lookup: table[idx], then multiply by learnable scalar scale
    out = jnp.take(embed, modality_ids, axis=0)  # (B, S, DIM)
    return out * scale

if __name__ == "__main__":
    import jax
    _d = setup_inputs()
    print(jax.jit(kernel)(*tuple(_d.values())))

</pallas_src>

<mosaic_0001>
#map = affine_map<(d0, d1) -> (0)>
#map1 = affine_map<(d0, d1) -> (0, 0)>
module attributes {stable_mosaic.version = 14 : i64} {
  func.func @k(%arg0: i32, %arg1: i32, %arg2: memref<32768xi32, #tpu.memory_space<hbm>>, %arg3: memref<5120xf32, #tpu.memory_space<hbm>>, %arg4: memref<1xf32, #tpu.memory_space<hbm>>, %arg5: memref<32768x1024xf32, #tpu.memory_space<hbm>>, %arg6: memref<1024xi32, #tpu.memory_space<vmem>>, %arg7: memref<16xf32, #tpu.memory_space<vmem>>, %arg8: memref<5120xf32, #tpu.memory_space<vmem>>, %arg9: memref<80x1024xf32, #tpu.memory_space<vmem>>, %arg10: memref<5440xi32, #tpu.memory_space<vmem>>, %arg11: memref<!tpu.dma_semaphore, #tpu.memory_space<semaphore_mem>>) attributes {dimension_semantics = [#tpu.dimension_semantics<core_parallel>, #tpu.dimension_semantics<subcore_parallel>], iteration_bounds = array<i64: 2, 16>, scalar_prefetch = 0 : i64, scratch_operands = 6 : i64, tpu.core_type = #tpu.core_type<sc_vector_subcore>, window_params = [{transform_indices = #map}, {transform_indices = #map}, {transform_indices = #map}, {transform_indices = #map1}]} {
    %mul3A = arith.constant 2 : i32
    %mul3A_0 = arith.muli %arg1, %mul3A : i32
    %add3A = arith.addi %mul3A_0, %arg0 : i32
    %mul3A_1 = arith.constant 1024 : i32
    %mul3A_2 = arith.muli %add3A, %mul3A_1 : i32
    "tpu.region"() ({
      %run_scoped3A = tpu.sem_alloc : memref<!tpu.dma_semaphore, #tpu.memory_space<semaphore_mem>>
      %dma_start3A = tpu.memref_slice %arg2[%mul3A_2] : memref<32768xi32, #tpu.memory_space<hbm>> -> memref<1024xi32, #tpu.memory_space<hbm>>
      %dma_start3A_35 = tpu.memref_slice %arg2[%mul3A_2] : memref<32768xi32, #tpu.memory_space<hbm>> -> memref<1024xi32, #tpu.memory_space<hbm>>
      tpu.enqueue_dma source(%dma_start3A_35 : memref<1024xi32, #tpu.memory_space<hbm>>) target(%arg6 : memref<1024xi32, #tpu.memory_space<vmem>>) target_semaphore(%run_scoped3A : memref<!tpu.dma_semaphore, #tpu.memory_space<semaphore_mem>>)
      %dma_wait3A = tpu.memref_slice %arg2[%mul3A_2] : memref<32768xi32, #tpu.memory_space<hbm>> -> memref<1024xi32, #tpu.memory_space<hbm>>
      %dma_wait3A_36 = tpu.memref_slice %arg2[%mul3A_2] : memref<32768xi32, #tpu.memory_space<hbm>> -> memref<1024xi32, #tpu.memory_space<hbm>>
      tpu.wait_dma2 semaphore(%run_scoped3A : memref<!tpu.dma_semaphore, #tpu.memory_space<semaphore_mem>>) src(%dma_wait3A_36 : memref<1024xi32, #tpu.memory_space<hbm>>) dst(%arg6 : memref<1024xi32, #tpu.memory_space<vmem>>)
      tpu.yield
    }) : () -> ()
    "tpu.region"() ({
      %run_scoped3A = tpu.sem_alloc : memref<!tpu.dma_semaphore, #tpu.memory_space<semaphore_mem>>
      %dma_start3A = arith.constant 0 : i32
      %dma_start3A_35 = tpu.memref_slice %arg7[%dma_start3A] : memref<16xf32, #tpu.memory_space<vmem>> -> memref<1xf32, #tpu.memory_space<vmem>>
      %dma_start3A_36 = arith.constant 0 : i32
      %dma_start3A_37 = tpu.memref_slice %arg7[%dma_start3A_36] : memref<16xf32, #tpu.memory_space<vmem>> -> memref<1xf32, #tpu.memory_space<vmem>>
      tpu.enqueue_dma source(%arg4 : memref<1xf32, #tpu.memory_space<hbm>>) target(%dma_start3A_37 : memref<1xf32, #tpu.memory_space<vmem>>) target_semaphore(%run_scoped3A : memref<!tpu.dma_semaphore, #tpu.memory_space<semaphore_mem>>)
      %dma_wait3A = arith.constant 0 : i32
      %dma_wait3A_38 = tpu.memref_slice %arg7[%dma_wait3A] : memref<16xf32, #tpu.memory_space<vmem>> -> memref<1xf32, #tpu.memory_space<vmem>>
      %dma_wait3A_39 = arith.constant 0 : i32
      %dma_wait3A_40 = tpu.memref_slice %arg7[%dma_wait3A_39] : memref<16xf32, #tpu.memory_space<vmem>> -> memref<1xf32, #tpu.memory_space<vmem>>
      tpu.wait_dma2 semaphore(%run_scoped3A : memref<!tpu.dma_semaphore, #tpu.memory_space<semaphore_mem>>) src(%arg4 : memref<1xf32, #tpu.memory_space<hbm>>) dst(%dma_wait3A_40 : memref<1xf32, #tpu.memory_space<vmem>>)
      tpu.yield
    }) : () -> ()
    "tpu.region"() ({
      %run_scoped3A = tpu.sem_alloc : memref<!tpu.dma_semaphore, #tpu.memory_space<semaphore_mem>>
      tpu.enqueue_dma source(%arg3 : memref<5120xf32, #tpu.memory_space<hbm>>) target(%arg8 : memref<5120xf32, #tpu.memory_space<vmem>>) target_semaphore(%run_scoped3A : memref<!tpu.dma_semaphore, #tpu.memory_space<semaphore_mem>>)
      tpu.wait_dma2 semaphore(%run_scoped3A : memref<!tpu.dma_semaphore, #tpu.memory_space<semaphore_mem>>) src(%arg3 : memref<5120xf32, #tpu.memory_space<hbm>>) dst(%arg8 : memref<5120xf32, #tpu.memory_space<vmem>>)
      tpu.yield
    }) : () -> ()
    %iota3A = tpu.iota {dimensions = array<i32: 0>} : vector<16xi32>
    %get3A = arith.constant 0 : index
    %get3A_3 = tpu.vector_load %arg7[%get3A] {strides = array<i32>} : memref<16xf32, #tpu.memory_space<vmem>>, vector<16xf32>,
    %eq3A = arith.constant 0 : i32
    %eq3A_4 = vector.broadcast %eq3A : i32 to vector<16xi32>
    %eq3A_5 = arith.cmpi eq, %iota3A, %eq3A_4 : vector<16xi32>
    %jit3A = arith.constant 3.400000e+38 : f32
    %broadcast_in_dim3A = vector.broadcast %jit3A : f32 to vector<16xf32>
    %select_n3A = arith.select %eq3A_5, %get3A_3, %broadcast_in_dim3A : vector<16xi1>, vector<16xf32>
    %reduce_min3A = arith.constant true
    %reduce_min3A_6 = vector.broadcast %reduce_min3A : i1 to vector<16xi1>
    %reduce_min3A_7 = tpu.scan <min>, %select_n3A masked %reduce_min3A_6 : vector<16xf32>, vector<16xi1> -> vector<16xf32>
    %reduce_min3A_8 = vector.extract %reduce_min3A_7[15] : f32 from vector<16xf32>
    %broadcast_in_dim3A_9 = vector.broadcast %reduce_min3A_8 : f32 to vector<16xf32>
    %scan3A = arith.constant 0 : i32
    %scan3A_10 = arith.constant 0 : i32
    %scan3A_11 = arith.constant 320 : i32
    %scan3A_12 = arith.addi %scan3A_10, %scan3A_11 : i32
    %scan3A_13 = arith.constant 1 : i32
    %scan3A_14 = scf.for %scan3A_35 = %scan3A_10 to %scan3A_12 step %scan3A_13 iter_args(%scan3A_36 = %scan3A) -> (i32)  : i32 {
      %mul3A_37 = arith.constant 16 : i32
      %mul3A_38 = arith.muli %scan3A_35, %mul3A_37 : i32
      %get3A_39 = arith.index_cast %mul3A_38 : i32 to index
      %get3A_40 = tpu.vector_load %arg8[%get3A_39] {strides = array<i32>} : memref<5120xf32, #tpu.memory_space<vmem>>, vector<16xf32>,
      %mul3A_41 = arith.mulf %get3A_40, %broadcast_in_dim3A_9 : vector<16xf32>
      %mul3A_42 = arith.constant 16 : i32
      %mul3A_43 = arith.muli %scan3A_35, %mul3A_42 : i32
      %swap3A = arith.index_cast %mul3A_43 : i32 to index
      %swap3A_44 = tpu.vector_load %arg8[%swap3A] {strides = array<i32>} : memref<5120xf32, #tpu.memory_space<vmem>>, vector<16xf32>,
      tpu.vector_store %arg8[%swap3A], %mul3A_41 {strides = array<i32>} : memref<5120xf32, #tpu.memory_space<vmem>>, vector<16xf32>,
      %scan3A_45 = arith.constant 0 : i32
      scf.yield %scan3A_45 : i32
    }
    %scan3A_15 = arith.constant 320 : i32
    %scan3A_16 = arith.constant 0 : i32
    %scan3A_17 = arith.constant 0 : i32
    %scan3A_18 = arith.constant 0 : i32
    %scan3A_19 = arith.constant 5 : i32
    %scan3A_20 = arith.addi %scan3A_18, %scan3A_19 : i32
    %scan3A_21 = arith.constant 1 : i32
    %scan3A_22:2 = scf.for %scan3A_35 = %scan3A_18 to %scan3A_20 step %scan3A_21 iter_args(%scan3A_36 = %scan3A_16, %scan3A_37 = %scan3A_17) -> (i32, i32)  : i32 {
      %mul3A_38 = arith.constant 1088 : i32
      %mul3A_39 = arith.muli %scan3A_35, %mul3A_38 : i32
      %scan3A_40 = arith.constant 0 : i32
      %scan3A_41 = arith.constant 0 : i32
      %scan3A_42 = arith.constant 16 : i32
      %scan3A_43 = arith.addi %scan3A_41, %scan3A_42 : i32
      %scan3A_44 = arith.constant 1 : i32
      %scan3A_45 = scf.for %scan3A_96 = %scan3A_41 to %scan3A_43 step %scan3A_44 iter_args(%scan3A_97 = %scan3A_40) -> (i32)  : i32 {
        %scan3A_98 = arith.constant 0 : i32
        %scan3A_99 = arith.constant 0 : i32
        %scan3A_100 = arith.constant 64 : i32
        %scan3A_101 = arith.addi %scan3A_99, %scan3A_100 : i32
        %scan3A_102 = arith.constant 8 : i32
        %scan3A_103 = scf.for %scan3A_106 = %scan3A_99 to %scan3A_101 step %scan3A_102 iter_args(%scan3A_107 = %scan3A_98) -> (i32)  : i32 {
          %mul3A_108 = arith.constant 1024 : i32
          %mul3A_109 = arith.muli %scan3A_35, %mul3A_108 : i32
          %mul3A_110 = arith.constant 16 : i32
          %mul3A_111 = arith.muli %scan3A_106, %mul3A_110 : i32
          %add3A_112 = arith.addi %mul3A_109, %mul3A_111 : i32
          %get3A_113 = arith.index_cast %add3A_112 : i32 to index
          %get3A_114 = tpu.vector_load %arg8[%get3A_113] {strides = array<i32>} : memref<5120xf32, #tpu.memory_space<vmem>>, vector<16xf32>,
          %mul3A_115 = arith.constant 16 : i32
          %mul3A_116 = arith.muli %scan3A_35, %mul3A_115 : i32
          %add3A_117 = arith.addi %mul3A_116, %scan3A_96 : i32
          %mul3A_118 = arith.constant 16 : i32
          %mul3A_119 = arith.muli %scan3A_106, %mul3A_118 : i32
          %swap3A_120 = arith.index_cast %add3A_117 : i32 to index
          %swap3A_121 = arith.index_cast %mul3A_119 : i32 to index
          %swap3A_122 = tpu.vector_load %arg9[%swap3A_120, %swap3A_121] {strides = array<i32>} : memref<80x1024xf32, #tpu.memory_space<vmem>>, vector<16xf32>,
          tpu.vector_store %arg9[%swap3A_120, %swap3A_121], %get3A_114 {strides = array<i32>} : memref<80x1024xf32, #tpu.memory_space<vmem>>, vector<16xf32>,
          %scan3A_123 = arith.constant 0 : i32
          %scan3A_124 = arith.constant 1 : i32
          %scan3A_125 = arith.addi %scan3A_106, %scan3A_124 : i32
          %mul3A_126 = arith.constant 1024 : i32
          %mul3A_127 = arith.muli %scan3A_35, %mul3A_126 : i32
          %mul3A_128 = arith.constant 16 : i32
          %mul3A_129 = arith.muli %scan3A_125, %mul3A_128 : i32
          %add3A_130 = arith.addi %mul3A_127, %mul3A_129 : i32
          %get3A_131 = arith.index_cast %add3A_130 : i32 to index
          %get3A_132 = tpu.vector_load %arg8[%get3A_131] {strides = array<i32>} : memref<5120xf32, #tpu.memory_space<vmem>>, vector<16xf32>,
          %mul3A_133 = arith.constant 16 : i32
          %mul3A_134 = arith.muli %scan3A_35, %mul3A_133 : i32
          %add3A_135 = arith.addi %mul3A_134, %scan3A_96 : i32
          %mul3A_136 = arith.constant 16 : i32
          %mul3A_137 = arith.muli %scan3A_125, %mul3A_136 : i32
          %swap3A_138 = arith.index_cast %add3A_135 : i32 to index
          %swap3A_139 = arith.index_cast %mul3A_137 : i32 to index
          %swap3A_140 = tpu.vector_load %arg9[%swap3A_138, %swap3A_139] {strides = array<i32>} : memref<80x1024xf32, #tpu.memory_space<vmem>>, vector<16xf32>,
          tpu.vector_store %arg9[%swap3A_138, %swap3A_139], %get3A_132 {strides = array<i32>} : memref<80x1024xf32, #tpu.memory_space<vmem>>, vector<16xf32>,
          %scan3A_141 = arith.constant 0 : i32
          %scan3A_142 = arith.constant 2 : i32
          %scan3A_143 = arith.addi %scan3A_106, %scan3A_142 : i32
          %mul3A_144 = arith.constant 1024 : i32
          %mul3A_145 = arith.muli %scan3A_35, %mul3A_144 : i32
          %mul3A_146 = arith.constant 16 : i32
          %mul3A_147 = arith.muli %scan3A_143, %mul3A_146 : i32
          %add3A_148 = arith.addi %mul3A_145, %mul3A_147 : i32
          %get3A_149 = arith.index_cast %add3A_148 : i32 to index
          %get3A_150 = tpu.vector_load %arg8[%get3A_149] {strides = array<i32>} : memref<5120xf32, #tpu.memory_space<vmem>>, vector<16xf32>,
          %mul3A_151 = arith.constant 16 : i32
          %mul3A_152 = arith.muli %scan3A_35, %mul3A_151 : i32
          %add3A_153 = arith.addi %mul3A_152, %scan3A_96 : i32
          %mul3A_154 = arith.constant 16 : i32
          %mul3A_155 = arith.muli %scan3A_143, %mul3A_154 : i32
          %swap3A_156 = arith.index_cast %add3A_153 : i32 to index
          %swap3A_157 = arith.index_cast %mul3A_155 : i32 to index
          %swap3A_158 = tpu.vector_load %arg9[%swap3A_156, %swap3A_157] {strides = array<i32>} : memref<80x1024xf32, #tpu.memory_space<vmem>>, vector<16xf32>,
          tpu.vector_store %arg9[%swap3A_156, %swap3A_157], %get3A_150 {strides = array<i32>} : memref<80x1024xf32, #tpu.memory_space<vmem>>, vector<16xf32>,
          %scan3A_159 = arith.constant 0 : i32
          %scan3A_160 = arith.constant 3 : i32
          %scan3A_161 = arith.addi %scan3A_106, %scan3A_160 : i32
          %mul3A_162 = arith.constant 1024 : i32
          %mul3A_163 = arith.muli %scan3A_35, %mul3A_162 : i32
          %mul3A_164 = arith.constant 16 : i32
          %mul3A_165 = arith.muli %scan3A_161, %mul3A_164 : i32
          %add3A_166 = arith.addi %mul3A_163, %mul3A_165 : i32
          %get3A_167 = arith.index_cast %add3A_166 : i32 to index
          %get3A_168 = tpu.vector_load %arg8[%get3A_167] {strides = array<i32>} : memref<5120xf32, #tpu.memory_space<vmem>>, vector<16xf32>,
          %mul3A_169 = arith.constant 16 : i32
          %mul3A_170 = arith.muli %scan3A_35, %mul3A_169 : i32
          %add3A_171 = arith.addi %mul3A_170, %scan3A_96 : i32
          %mul3A_172 = arith.constant 16 : i32
          %mul3A_173 = arith.muli %scan3A_161, %mul3A_172 : i32
          %swap3A_174 = arith.index_cast %add3A_171 : i32 to index
          %swap3A_175 = arith.index_cast %mul3A_173 : i32 to index
          %swap3A_176 = tpu.vector_load %arg9[%swap3A_174, %swap3A_175] {strides = array<i32>} : memref<80x1024xf32, #tpu.memory_space<vmem>>, vector<16xf32>,
          tpu.vector_store %arg9[%swap3A_174, %swap3A_175], %get3A_168 {strides = array<i32>} : memref<80x1024xf32, #tpu.memory_space<vmem>>, vector<16xf32>,
          %scan3A_177 = arith.constant 0 : i32
          %scan3A_178 = arith.constant 4 : i32
          %scan3A_179 = arith.addi %scan3A_106, %scan3A_178 : i32
          %mul3A_180 = arith.constant 1024 : i32
          %mul3A_181 = arith.muli %scan3A_35, %mul3A_180 : i32
          %mul3A_182 = arith.constant 16 : i32
          %mul3A_183 = arith.muli %scan3A_179, %mul3A_182 : i32
          %add3A_184 = arith.addi %mul3A_181, %mul3A_183 : i32
          %get3A_185 = arith.index_cast %add3A_184 : i32 to index
          %get3A_186 = tpu.vector_load %arg8[%get3A_185] {strides = array<i32>} : memref<5120xf32, #tpu.memory_space<vmem>>, vector<16xf32>,
          %mul3A_187 = arith.constant 16 : i32
          %mul3A_188 = arith.muli %scan3A_35, %mul3A_187 : i32
          %add3A_189 = arith.addi %mul3A_188, %scan3A_96 : i32
          %mul3A_190 = arith.constant 16 : i32
          %mul3A_191 = arith.muli %scan3A_179, %mul3A_190 : i32
          %swap3A_192 = arith.index_cast %add3A_189 : i32 to index
          %swap3A_193 = arith.index_cast %mul3A_191 : i32 to index
          %swap3A_194 = tpu.vector_load %arg9[%swap3A_192, %swap3A_193] {strides = array<i32>} : memref<80x1024xf32, #tpu.memory_space<vmem>>, vector<16xf32>,
          tpu.vector_store %arg9[%swap3A_192, %swap3A_193], %get3A_186 {strides = array<i32>} : memref<80x1024xf32, #tpu.memory_space<vmem>>, vector<16xf32>,
          %scan3A_195 = arith.constant 0 : i32
          %scan3A_196 = arith.constant 5 : i32
          %scan3A_197 = arith.addi %scan3A_106, %scan3A_196 : i32
          %mul3A_198 = arith.constant 1024 : i32
          %mul3A_199 = arith.muli %scan3A_35, %mul3A_198 : i32
          %mul3A_200 = arith.constant 16 : i32
          %mul3A_201 = arith.muli %scan3A_197, %mul3A_200 : i32
          %add3A_202 = arith.addi %mul3A_199, %mul3A_201 : i32
          %get3A_203 = arith.index_cast %add3A_202 : i32 to index
          %get3A_204 = tpu.vector_load %arg8[%get3A_203] {strides = array<i32>} : memref<5120xf32, #tpu.memory_space<vmem>>, vector<16xf32>,
          %mul3A_205 = arith.constant 16 : i32
          %mul3A_206 = arith.muli %scan3A_35, %mul3A_205 : i32
          %add3A_207 = arith.addi %mul3A_206, %scan3A_96 : i32
          %mul3A_208 = arith.constant 16 : i32
          %mul3A_209 = arith.muli %scan3A_197, %mul3A_208 : i32
          %swap3A_210 = arith.index_cast %add3A_207 : i32 to index
          %swap3A_211 = arith.index_cast %mul3A_209 : i32 to index
          %swap3A_212 = tpu.vector_load %arg9[%swap3A_210, %swap3A_211] {strides = array<i32>} : memref<80x1024xf32, #tpu.memory_space<vmem>>, vector<16xf32>,
          tpu.vector_store %arg9[%swap3A_210, %swap3A_211], %get3A_204 {strides = array<i32>} : memref<80x1024xf32, #tpu.memory_space<vmem>>, vector<16xf32>,
          %scan3A_213 = arith.constant 0 : i32
          %scan3A_214 = arith.constant 6 : i32
          %scan3A_215 = arith.addi %scan3A_106, %scan3A_214 : i32
          %mul3A_216 = arith.constant 1024 : i32
          %mul3A_217 = arith.muli %scan3A_35, %mul3A_216 : i32
          %mul3A_218 = arith.constant 16 : i32
          %mul3A_219 = arith.muli %scan3A_215, %mul3A_218 : i32
          %add3A_220 = arith.addi %mul3A_217, %mul3A_219 : i32
          %get3A_221 = arith.index_cast %add3A_220 : i32 to index
          %get3A_222 = tpu.vector_load %arg8[%get3A_221] {strides = array<i32>} : memref<5120xf32, #tpu.memory_space<vmem>>, vector<16xf32>,
          %mul3A_223 = arith.constant 16 : i32
          %mul3A_224 = arith.muli %scan3A_35, %mul3A_223 : i32
          %add3A_225 = arith.addi %mul3A_224, %scan3A_96 : i32
          %mul3A_226 = arith.constant 16 : i32
          %mul3A_227 = arith.muli %scan3A_215, %mul3A_226 : i32
          %swap3A_228 = arith.index_cast %add3A_225 : i32 to index
          %swap3A_229 = arith.index_cast %mul3A_227 : i32 to index
          %swap3A_230 = tpu.vector_load %arg9[%swap3A_228, %swap3A_229] {strides = array<i32>} : memref<80x1024xf32, #tpu.memory_space<vmem>>, vector<16xf32>,
          tpu.vector_store %arg9[%swap3A_228, %swap3A_229], %get3A_222 {strides = array<i32>} : memref<80x1024xf32, #tpu.memory_space<vmem>>, vector<16xf32>,
          %scan3A_231 = arith.constant 0 : i32
          %scan3A_232 = arith.constant 7 : i32
          %scan3A_233 = arith.addi %scan3A_106, %scan3A_232 : i32
          %mul3A_234 = arith.constant 1024 : i32
          %mul3A_235 = arith.muli %scan3A_35, %mul3A_234 : i32
          %mul3A_236 = arith.constant 16 : i32
          %mul3A_237 = arith.muli %scan3A_233, %mul3A_236 : i32
          %add3A_238 = arith.addi %mul3A_235, %mul3A_237 : i32
          %get3A_239 = arith.index_cast %add3A_238 : i32 to index
          %get3A_240 = tpu.vector_load %arg8[%get3A_239] {strides = array<i32>} : memref<5120xf32, #tpu.memory_space<vmem>>, vector<16xf32>,
          %mul3A_241 = arith.constant 16 : i32
          %mul3A_242 = arith.muli %scan3A_35, %mul3A_241 : i32
          %add3A_243 = arith.addi %mul3A_242, %scan3A_96 : i32
          %mul3A_244 = arith.constant 16 : i32
          %mul3A_245 = arith.muli %scan3A_233, %mul3A_244 : i32
          %swap3A_246 = arith.index_cast %add3A_243 : i32 to index
          %swap3A_247 = arith.index_cast %mul3A_245 : i32 to index
          %swap3A_248 = tpu.vector_load %arg9[%swap3A_246, %swap3A_247] {strides = array<i32>} : memref<80x1024xf32, #tpu.memory_space<vmem>>, vector<16xf32>,
          tpu.vector_store %arg9[%swap3A_246, %swap3A_247], %get3A_240 {strides = array<i32>} : memref<80x1024xf32, #tpu.memory_space<vmem>>, vector<16xf32>,
          %scan3A_249 = arith.constant 0 : i32
          scf.yield %scan3A_249 : i32
        }
        %scan3A_104 = arith.constant 64 : i32
        %scan3A_105 = arith.constant 0 : i32
        scf.yield %scan3A_105 : i32
      }
      %scan3A_46 = arith.constant 16 : i32
      %scan3A_47 = arith.constant 0 : i32
      %scan3A_48 = arith.constant 0 : i32
      %scan3A_49 = arith.constant 64 : i32
      %scan3A_50 = arith.addi %scan3A_48, %scan3A_49 : i32
      %scan3A_51 = arith.constant 1 : i32
      %scan3A_52 = scf.for %scan3A_96 = %scan3A_48 to %scan3A_50 step %scan3A_51 iter_args(%scan3A_97 = %scan3A_47) -> (i32)  : i32 {
        %mul3A_98 = arith.constant 16 : i32
        %mul3A_99 = arith.muli %scan3A_96, %mul3A_98 : i32
        %get3A_100 = arith.index_cast %mul3A_99 : i32 to index
        %get3A_101 = tpu.vector_load %arg6[%get3A_100] {strides = array<i32>} : memref<1024xi32, #tpu.memory_space<vmem>>, vector<16xi32>,
        %eq3A_102 = vector.broadcast %scan3A_35 : i32 to vector<16xi32>
        %eq3A_103 = arith.cmpi eq, %get3A_101, %eq3A_102 : vector<16xi32>
        %mul3A_104 = arith.constant 16 : i32
        %mul3A_105 = arith.muli %scan3A_96, %mul3A_104 : i32
        %add3A_106 = arith.addi %mul3A_2, %mul3A_105 : i32
        %add3A_107 = vector.broadcast %add3A_106 : i32 to vector<16xi32>
        %add3A_108 = arith.addi %add3A_107, %iota3A : vector<16xi32>
        %add3A_109 = arith.addi %mul3A_39, %scan3A_97 : i32
        %swap3A_110 = arith.index_cast %add3A_109 : i32 to index
        %swap3A_111 = tpu.vector_load %arg10[%swap3A_110] masked %eq3A_103 {strides = array<i32>} : memref<5440xi32, #tpu.memory_space<vmem>>, vector<16xi32>, vector<16xi1>
        tpu.vector_store %arg10[%swap3A_110], %add3A_108 masked %eq3A_103 {strides = array<i32>} : memref<5440xi32, #tpu.memory_space<vmem>>, vector<16xi32>, vector<16xi1>
        %convert_element_type3A = arith.extui %eq3A_103 : vector<16xi1> to vector<16xi32>
        %reduce_sum3A = arith.constant true
        %reduce_sum3A_112 = vector.broadcast %reduce_sum3A : i1 to vector<16xi1>
        %reduce_sum3A_113 = tpu.scan <sum>, %convert_element_type3A masked %reduce_sum3A_112 : vector<16xi32>, vector<16xi1> -> vector<16xi32>
        %reduce_sum3A_114 = vector.extract %reduce_sum3A_113[15] : i32 from vector<16xi32>
        %add3A_115 = arith.addi %scan3A_97, %reduce_sum3A_114 : i32
        scf.yield %add3A_115 : i32
      }
      %scan3A_53 = arith.constant 64 : i32
      %shift_right_arithmetic3A = arith.constant 4 : i32
      %shift_right_arithmetic3A_54 = arith.shrsi %scan3A_52, %shift_right_arithmetic3A : i32
      %shift_left3A = arith.constant 4 : i32
      %shift_left3A_55 = arith.shli %shift_right_arithmetic3A_54, %shift_left3A : i32
      %get3A_56 = arith.index_cast %mul3A_39 : i32 to index
      %get3A_57 = tpu.vector_load %arg10[%get3A_56] {strides = array<i32>} : memref<5440xi32, #tpu.memory_space<vmem>>, vector<16xi32>,
      %min3A = arith.constant 16 : i32
      %min3A_58 = arith.minsi %scan3A_52, %min3A : i32
      %lt3A = vector.broadcast %min3A_58 : i32 to vector<16xi32>
      %lt3A_59 = arith.cmpi slt, %iota3A, %lt3A : vector<16xi32>
      %jit3A_60 = arith.constant 1073741824 : i32
      %broadcast_in_dim3A_61 = vector.broadcast %jit3A_60 : i32 to vector<16xi32>
      %select_n3A_62 = arith.select %lt3A_59, %get3A_57, %broadcast_in_dim3A_61 : vector<16xi1>, vector<16xi32>
      %reduce_min3A_63 = arith.constant true
      %reduce_min3A_64 = vector.broadcast %reduce_min3A_63 : i1 to vector<16xi1>
      %reduce_min3A_65 = arith.constant -2147483648 : i32
      %reduce_min3A_66 = vector.broadcast %reduce_min3A_65 : i32 to vector<16xi32>
      %reduce_min3A_67 = arith.xori %select_n3A_62, %reduce_min3A_66 : vector<16xi32>
      %reduce_min3A_68 = tpu.scan <min>, %reduce_min3A_67 masked %reduce_min3A_64 : vector<16xi32>, vector<16xi1> -> vector<16xi32>
      %reduce_min3A_69 = arith.xori %reduce_min3A_68, %reduce_min3A_66 : vector<16xi32>
      %reduce_min3A_70 = vector.extract %reduce_min3A_69[15] : i32 from vector<16xi32>
      %broadcast_in_dim3A_71 = vector.broadcast %reduce_min3A_70 : i32 to vector<16xi32>
      %add3A_72 = arith.addi %mul3A_39, %shift_left3A_55 : i32
      %get3A_73 = arith.index_cast %add3A_72 : i32 to index
      %get3A_74 = tpu.vector_load %arg10[%get3A_73] {strides = array<i32>} : memref<5440xi32, #tpu.memory_space<vmem>>, vector<16xi32>,
      %and3A = arith.constant 15 : i32
      %and3A_75 = arith.andi %scan3A_52, %and3A : i32
      %lt3A_76 = vector.broadcast %and3A_75 : i32 to vector<16xi32>
      %lt3A_77 = arith.cmpi slt, %iota3A, %lt3A_76 : vector<16xi32>
      %select_n3A_78 = arith.select %lt3A_77, %get3A_74, %broadcast_in_dim3A_71 : vector<16xi1>, vector<16xi32>
      %add3A_79 = arith.addi %mul3A_39, %shift_left3A_55 : i32
      %swap3A = arith.index_cast %add3A_79 : i32 to index
      %swap3A_80 = tpu.vector_load %arg10[%swap3A] {strides = array<i32>} : memref<5440xi32, #tpu.memory_space<vmem>>, vector<16xi32>,
      tpu.vector_store %arg10[%swap3A], %select_n3A_78 {strides = array<i32>} : memref<5440xi32, #tpu.memory_space<vmem>>, vector<16xi32>,
      %add3A_81 = arith.constant 15 : i32
      %add3A_82 = arith.addi %scan3A_52, %add3A_81 : i32
      %shift_right_arithmetic3A_83 = arith.constant 4 : i32
      %shift_right_arithmetic3A_84 = arith.shrsi %add3A_82, %shift_right_arithmetic3A_83 : i32
      %while3A_85 = arith.constant 0 : i32
      %while3A_86 = arith.subi %shift_right_arithmetic3A_84, %while3A_85 : i32
      %while3A_87 = arith.addi %while3A_85, %while3A_86 : i32
      %while3A_88 = arith.constant 1 : i32
      %while3A_89 = arith.divsi %while3A_86, %while3A_88 : i32
      %while3A_90 = arith.muli %while3A_89, %while3A_88 : i32
      %while3A_91 = arith.addi %while3A_85, %while3A_90 : i32
      %while3A_92 = arith.constant 1 : i32
      %while3A_93:2 = scf.for %while3A_96 = %while3A_85 to %while3A_91 step %while3A_92 iter_args(%while3A_97 = %scan3A_36, %while3A_98 = %scan3A_37) -> (i32, i32)  : i32 {
        %mul3A_99 = arith.constant 16 : i32
        %mul3A_100 = arith.muli %while3A_96, %mul3A_99 : i32
        %add3A_101 = arith.addi %mul3A_39, %mul3A_100 : i32
        %get3A_102 = arith.index_cast %add3A_101 : i32 to index
        %get3A_103 = tpu.vector_load %arg10[%get3A_102] {strides = array<i32>} : memref<5440xi32, #tpu.memory_space<vmem>>, vector<16xi32>,
        %mul3A_104 = arith.constant 16 : i32
        %mul3A_105 = arith.muli %scan3A_35, %mul3A_104 : i32
        %dma_start3A = arith.constant 0 : i32
        %dma_start3A_106 = tpu.memref_slice %arg9[%mul3A_105, %dma_start3A] : memref<80x1024xf32, #tpu.memory_space<vmem>> -> memref<16x1024xf32, #tpu.memory_space<vmem>>
        %dma_start3A_107 = arith.constant 0 : i32
        %dma_start3A_108 = arith.constant 0 : i32
        %dma_start3A_109 = tpu.memref_slice %arg5[%dma_start3A_107, %dma_start3A_108] : memref<32768x1024xf32, #tpu.memory_space<hbm>> -> memref<32768x1024xf32, #tpu.memory_space<hbm>>
        tpu.enqueue_indirect_dma source(%dma_start3A_106 : memref<16x1024xf32, #tpu.memory_space<vmem>>) target(%dma_start3A_109 : memref<32768x1024xf32, #tpu.memory_space<hbm>>) offsets(%get3A_103 : vector<16xi32>) semaphore(%arg11 : memref<!tpu.dma_semaphore, #tpu.memory_space<semaphore_mem>>)
        %add3A_110 = arith.constant 1 : i32
        %add3A_111 = arith.addi %while3A_97, %add3A_110 : i32
        %sub3A_112 = arith.subi %add3A_111, %while3A_98 : i32
        %gt3A = arith.constant 24 : i32
        %gt3A_113 = arith.cmpi sgt, %sub3A_112, %gt3A : i32
        %convert_element_type3A = arith.extui %gt3A_113 : i1 to i32
        %cond3A = arith.constant 0 : i32
        %cond3A_114 = arith.cmpi ne, %convert_element_type3A, %cond3A : i32
        %cond3A_115 = scf.if %cond3A_114 -> (i32) {
          %dma_wait3A = arith.constant 0 : i32
          %dma_wait3A_116 = arith.constant 0 : i32
          %dma_wait3A_117 = tpu.memref_slice %arg9[%dma_wait3A, %dma_wait3A_116] : memref<80x1024xf32, #tpu.memory_space<vmem>> -> memref<16x1024xf32, #tpu.memory_space<vmem>>
          %dma_wait3A_118 = arith.constant 0 : i32
          %dma_wait3A_119 = arith.constant 0 : i32
          %dma_wait3A_120 = tpu.memref_slice %arg5[%dma_wait3A_118, %dma_wait3A_119] : memref<32768x1024xf32, #tpu.memory_space<hbm>> -> memref<16x1024xf32, #tpu.memory_space<hbm>>
          %dma_wait3A_121 = arith.constant 0 : i32
          %dma_wait3A_122 = arith.constant 0 : i32
          %dma_wait3A_123 = tpu.memref_slice %arg5[%dma_wait3A_121, %dma_wait3A_122] : memref<32768x1024xf32, #tpu.memory_space<hbm>> -> memref<16x1024xf32, #tpu.memory_space<hbm>>
          %dma_wait3A_124 = arith.constant 0 : i32
          %dma_wait3A_125 = arith.constant 0 : i32
          %dma_wait3A_126 = tpu.memref_slice %arg9[%dma_wait3A_124, %dma_wait3A_125] : memref<80x1024xf32, #tpu.memory_space<vmem>> -> memref<16x1024xf32, #tpu.memory_space<vmem>>
          tpu.wait_dma2 semaphore(%arg11 : memref<!tpu.dma_semaphore, #tpu.memory_space<semaphore_mem>>) src(%dma_wait3A_126 : memref<16x1024xf32, #tpu.memory_space<vmem>>) dst(%dma_wait3A_123 : memref<16x1024xf32, #tpu.memory_space<hbm>>)
          %add3A_127 = arith.constant 1 : i32
          %add3A_128 = arith.addi %while3A_98, %add3A_127 : i32
          scf.yield %add3A_128 : i32
        } else {
          scf.yield %while3A_98 : i32
        }
        scf.yield %add3A_111, %cond3A_115 : i32, i32
      }
      %while3A_94 = arith.constant 1 : i32
      %while3A_95:2 = scf.for %while3A_96 = %while3A_91 to %while3A_87 step %while3A_94 iter_args(%while3A_97 = %while3A_93#0, %while3A_98 = %while3A_93#1) -> (i32, i32)  : i32 {
        %mul3A_99 = arith.constant 16 : i32
        %mul3A_100 = arith.muli %while3A_96, %mul3A_99 : i32
        %add3A_101 = arith.addi %mul3A_39, %mul3A_100 : i32
        %get3A_102 = arith.index_cast %add3A_101 : i32 to index
        %get3A_103 = tpu.vector_load %arg10[%get3A_102] {strides = array<i32>} : memref<5440xi32, #tpu.memory_space<vmem>>, vector<16xi32>,
        %mul3A_104 = arith.constant 16 : i32
        %mul3A_105 = arith.muli %scan3A_35, %mul3A_104 : i32
        %dma_start3A = arith.constant 0 : i32
        %dma_start3A_106 = tpu.memref_slice %arg9[%mul3A_105, %dma_start3A] : memref<80x1024xf32, #tpu.memory_space<vmem>> -> memref<16x1024xf32, #tpu.memory_space<vmem>>
        %dma_start3A_107 = arith.constant 0 : i32
        %dma_start3A_108 = arith.constant 0 : i32
        %dma_start3A_109 = tpu.memref_slice %arg5[%dma_start3A_107, %dma_start3A_108] : memref<32768x1024xf32, #tpu.memory_space<hbm>> -> memref<32768x1024xf32, #tpu.memory_space<hbm>>
        tpu.enqueue_indirect_dma source(%dma_start3A_106 : memref<16x1024xf32, #tpu.memory_space<vmem>>) target(%dma_start3A_109 : memref<32768x1024xf32, #tpu.memory_space<hbm>>) offsets(%get3A_103 : vector<16xi32>) semaphore(%arg11 : memref<!tpu.dma_semaphore, #tpu.memory_space<semaphore_mem>>)
        %add3A_110 = arith.constant 1 : i32
        %add3A_111 = arith.addi %while3A_97, %add3A_110 : i32
        %sub3A_112 = arith.subi %add3A_111, %while3A_98 : i32
        %gt3A = arith.constant 24 : i32
        %gt3A_113 = arith.cmpi sgt, %sub3A_112, %gt3A : i32
        %convert_element_type3A = arith.extui %gt3A_113 : i1 to i32
        %cond3A = arith.constant 0 : i32
        %cond3A_114 = arith.cmpi ne, %convert_element_type3A, %cond3A : i32
        %cond3A_115 = scf.if %cond3A_114 -> (i32) {
          %dma_wait3A = arith.constant 0 : i32
          %dma_wait3A_116 = arith.constant 0 : i32
          %dma_wait3A_117 = tpu.memref_slice %arg9[%dma_wait3A, %dma_wait3A_116] : memref<80x1024xf32, #tpu.memory_space<vmem>> -> memref<16x1024xf32, #tpu.memory_space<vmem>>
          %dma_wait3A_118 = arith.constant 0 : i32
          %dma_wait3A_119 = arith.constant 0 : i32
          %dma_wait3A_120 = tpu.memref_slice %arg5[%dma_wait3A_118, %dma_wait3A_119] : memref<32768x1024xf32, #tpu.memory_space<hbm>> -> memref<16x1024xf32, #tpu.memory_space<hbm>>
          %dma_wait3A_121 = arith.constant 0 : i32
          %dma_wait3A_122 = arith.constant 0 : i32
          %dma_wait3A_123 = tpu.memref_slice %arg5[%dma_wait3A_121, %dma_wait3A_122] : memref<32768x1024xf32, #tpu.memory_space<hbm>> -> memref<16x1024xf32, #tpu.memory_space<hbm>>
          %dma_wait3A_124 = arith.constant 0 : i32
          %dma_wait3A_125 = arith.constant 0 : i32
          %dma_wait3A_126 = tpu.memref_slice %arg9[%dma_wait3A_124, %dma_wait3A_125] : memref<80x1024xf32, #tpu.memory_space<vmem>> -> memref<16x1024xf32, #tpu.memory_space<vmem>>
          tpu.wait_dma2 semaphore(%arg11 : memref<!tpu.dma_semaphore, #tpu.memory_space<semaphore_mem>>) src(%dma_wait3A_126 : memref<16x1024xf32, #tpu.memory_space<vmem>>) dst(%dma_wait3A_123 : memref<16x1024xf32, #tpu.memory_space<hbm>>)
          %add3A_127 = arith.constant 1 : i32
          %add3A_128 = arith.addi %while3A_98, %add3A_127 : i32
          scf.yield %add3A_128 : i32
        } else {
          scf.yield %while3A_98 : i32
        }
        scf.yield %add3A_111, %cond3A_115 : i32, i32
      }
      scf.yield %while3A_95#0, %while3A_95#1 : i32, i32
    }
    %scan3A_23 = arith.constant 5 : i32
    %sub3A = arith.subi %scan3A_22#0, %scan3A_22#1 : i32
    %while3A = arith.constant 0 : i32
    %while3A_24 = arith.constant 0 : i32
    %while3A_25 = arith.subi %sub3A, %while3A : i32
    %while3A_26 = arith.addi %while3A, %while3A_25 : i32
    %while3A_27 = arith.constant 1 : i32
    %while3A_28 = arith.divsi %while3A_25, %while3A_27 : i32
    %while3A_29 = arith.muli %while3A_28, %while3A_27 : i32
    %while3A_30 = arith.addi %while3A, %while3A_29 : i32
    %while3A_31 = arith.constant 1 : i32
    %while3A_32 = scf.for %while3A_35 = %while3A to %while3A_30 step %while3A_31 iter_args(%while3A_36 = %while3A_24) -> (i32)  : i32 {
      %dma_wait3A = arith.constant 0 : i32
      %dma_wait3A_37 = arith.constant 0 : i32
      %dma_wait3A_38 = tpu.memref_slice %arg9[%dma_wait3A, %dma_wait3A_37] : memref<80x1024xf32, #tpu.memory_space<vmem>> -> memref<16x1024xf32, #tpu.memory_space<vmem>>
      %dma_wait3A_39 = arith.constant 0 : i32
      %dma_wait3A_40 = arith.constant 0 : i32
      %dma_wait3A_41 = tpu.memref_slice %arg5[%dma_wait3A_39, %dma_wait3A_40] : memref<32768x1024xf32, #tpu.memory_space<hbm>> -> memref<16x1024xf32, #tpu.memory_space<hbm>>
      %dma_wait3A_42 = arith.constant 0 : i32
      %dma_wait3A_43 = arith.constant 0 : i32
      %dma_wait3A_44 = tpu.memref_slice %arg5[%dma_wait3A_42, %dma_wait3A_43] : memref<32768x1024xf32, #tpu.memory_space<hbm>> -> memref<16x1024xf32, #tpu.memory_space<hbm>>
      %dma_wait3A_45 = arith.constant 0 : i32
      %dma_wait3A_46 = arith.constant 0 : i32
      %dma_wait3A_47 = tpu.memref_slice %arg9[%dma_wait3A_45, %dma_wait3A_46] : memref<80x1024xf32, #tpu.memory_space<vmem>> -> memref<16x1024xf32, #tpu.memory_space<vmem>>
      tpu.wait_dma2 semaphore(%arg11 : memref<!tpu.dma_semaphore, #tpu.memory_space<semaphore_mem>>) src(%dma_wait3A_47 : memref<16x1024xf32, #tpu.memory_space<vmem>>) dst(%dma_wait3A_44 : memref<16x1024xf32, #tpu.memory_space<hbm>>)
      %while3A_48 = arith.constant 0 : i32
      scf.yield %while3A_48 : i32
    }
    %while3A_33 = arith.constant 1 : i32
    %while3A_34 = scf.for %while3A_35 = %while3A_30 to %while3A_26 step %while3A_33 iter_args(%while3A_36 = %while3A_32) -> (i32)  : i32 {
      %dma_wait3A = arith.constant 0 : i32
      %dma_wait3A_37 = arith.constant 0 : i32
      %dma_wait3A_38 = tpu.memref_slice %arg9[%dma_wait3A, %dma_wait3A_37] : memref<80x1024xf32, #tpu.memory_space<vmem>> -> memref<16x1024xf32, #tpu.memory_space<vmem>>
      %dma_wait3A_39 = arith.constant 0 : i32
      %dma_wait3A_40 = arith.constant 0 : i32
      %dma_wait3A_41 = tpu.memref_slice %arg5[%dma_wait3A_39, %dma_wait3A_40] : memref<32768x1024xf32, #tpu.memory_space<hbm>> -> memref<16x1024xf32, #tpu.memory_space<hbm>>
      %dma_wait3A_42 = arith.constant 0 : i32
      %dma_wait3A_43 = arith.constant 0 : i32
      %dma_wait3A_44 = tpu.memref_slice %arg5[%dma_wait3A_42, %dma_wait3A_43] : memref<32768x1024xf32, #tpu.memory_space<hbm>> -> memref<16x1024xf32, #tpu.memory_space<hbm>>
      %dma_wait3A_45 = arith.constant 0 : i32
      %dma_wait3A_46 = arith.constant 0 : i32
      %dma_wait3A_47 = tpu.memref_slice %arg9[%dma_wait3A_45, %dma_wait3A_46] : memref<80x1024xf32, #tpu.memory_space<vmem>> -> memref<16x1024xf32, #tpu.memory_space<vmem>>
      tpu.wait_dma2 semaphore(%arg11 : memref<!tpu.dma_semaphore, #tpu.memory_space<semaphore_mem>>) src(%dma_wait3A_47 : memref<16x1024xf32, #tpu.memory_space<vmem>>) dst(%dma_wait3A_44 : memref<16x1024xf32, #tpu.memory_space<hbm>>)
      %while3A_48 = arith.constant 0 : i32
      scf.yield %while3A_48 : i32
    }
    return
  }
}

</mosaic_0001>

<sc_bundles>
// kernel: kernel.3.cloned.1.call-start
scs
__scs_entry_jumppad:
0x0: {  	(pc) =	sbr.rel $0x88, $3  }
0x1: {  	(tag) =	ssettag $0x0;
	lr =	simm.s32 $0x1  }
0x2: {  	[smem:$0x3F9E] =	sst lr;
	_ =	strace $0xD0000000  }
0x3: {  	_ = 	snop  }
0x4: {  	_ = 	snop  }
0x5: {  	_ = 	snop  }
0x6: {  	_ = 	snop  }
0x7: {  	_ = 	snop  }
__scs_overlays_trampoline_lowered:
0x8: {  	[smem:$0x3FAD] =	sst s0  }
0x9: {  	[smem:$0x3FAE] =	sst s1  }
0xa: {  	[smem:$0x3FAF] =	sst s2  }
0xb: {  	[smem:$0x3FB0] =	sst s3  }
0xc: {  	[smem:$0x3FB1] =	sst s4  }
0xd: {  	[smem:$0x3FB2] =	sst s5  }
0xe: {  	[smem:$0x3FB3] =	sst s6  }
0xf: {  	[smem:$0x3FB4] =	sst s7  }
0x10: {  	[smem:$0x3FB5] =	sst s8  }
0x11: {  	[smem:$0x3FB6] =	sst s9;
	s0 =	simm.s32 @!p0 $0x0  }
0x12: {  	s1 =	sld [smem:$0x3F9C];
	s0 =	simm.s32 @p0 $0x1  }
0x13: {  	[smem:$0x3FB7] =	sst s0;
	s0 =	simm.s32 @!p1 $0x0  }
0x14: {  	s2 =	sld [smem:$0x3F9B];
	s0 =	simm.s32 @p1 $0x1  }
0x15: {  	[smem:$0x3FB8] =	sst s0;
	s0 =	simm.s32 @!p2 $0x0  }
0x16: {  	s3 =	sld [smem:$0x3FDB];
	s0 =	simm.s32 @p2 $0x1  }
0x17: {  	s4 =	simm.s32 $0x1BF5;
	[smem:$0x3FBA] =	sst s0  }
0x18: {  	s0 =	sld [smem:$0x3F9D];
	_ =	swait.ge [sflag:s4], $0x0  }
0x19: {  	s7 =	sld [smem:$0x3F9E]  }
0x1a: {  	s8 =	sadd.s32 $0xFFFFE003, lr  }
0x1b: {  	s9 =	sadd.s32 $0xFFFFFEF7, lr;
	s5 =	simm.s32 $0xFFFFFFFF;
	p2 =	slt.u32 s8, $0xFFFFF086  }
0x1c: {  	p1 =	slt.u32 s9, $0xF7A;
	s5 =	simm.s32 @!p2 $0x0  }
0x1d: {  	s5 =	simm.s32 @p1 $0x1;
	p0 =	seq.s32 s7, s2  }
0x1e: {  	s7 =	smul.u32 @!p0 $0xF7A, s2;
	p2 =	seq.s32 @!p0 s5, $0x0  }
0x1f: {  	s9 =	smul.u32 $0xF7A, s1;
	s8 =	simm.s32 @!p0 $0x1BF5;
	p2 =	por !p2, p0  }
0x20: {  	[sflag:s8] =	ssyncset.s32 @!p0 $0xFFFFF086;
	s6 =	sadd.s32 @!p0 s3, s7;
	s7 =	simm.s32 @!p0 $0x108  }
0x21: {  	s3 =	sadd.s32 s3, s9;
	s6 =	sadd.s32 @!p0 $0x88, s6;
	s7 =	simm.s32 @p2 $0x1082  }
0x22: {  	[simem:s7], [sflag:s8] =	dma.local @!p0 [hbm:s6], $0xF7A  }
0x23: {  	s9 =	sor.u32 $0xD0000000, s2;
	s6 =	simm.s32 $0x108;
	_ =	swait.ge @!p0 [sflag:s8], $0x0  }
0x24: {  	s3 =	sadd.s32 $0x88, s3;
	s6 =	simm.s32 @!p1 $0x1082;
	[sflag:s4] =	ssyncset.s32 $0xFFFFF086  }
0x25: {  	[simem:s6], [sflag:s4] =	dma.local [hbm:s3], $0xF7A  }
0x26: {  	[smem:$0x3F9E] =	sst s1;
	(tag) =	ssettag s2;
	_ =	strace s9  }
0x27: {  	s1 =	sld [smem:$0x3FAE]  }
0x28: {  	s2 =	sld [smem:$0x3FAF]  }
0x29: {  	s4 =	sld [smem:$0x3FB1]  }
0x2a: {  	p0 =	seq.s32 s5, $0x0;
	s5 =	sld [smem:$0x3FB2]  }
0x2b: {  	s6 =	sld [smem:$0x3FB3]  }
0x2c: {  	s7 =	sld [smem:$0x3FB4]  }
0x2d: {  	s3 =	simm.s32 $0x108;
	s8 =	sld [smem:$0x3FB5]  }
0x2e: {  	s3 =	simm.s32 @!p0 $0x1082;
	s9 =	sld [smem:$0x3FB6]  }
0x2f: {  	lr =	sadd.s32 s0, s3;
	s0 =	sld [smem:$0x3FAD]  }
0x30: {  	s3 =	sld [smem:$0x3FB0]  }
0x31: {  	[smem:$0x3FB9] =	sst s10  }
0x32: {  	s10 =	sld [smem:$0x3FB7];
	_ =	sdelay $0x3  }
0x33: {  	p0 =	seq.s32 s10, $0x1;
	s10 =	sld [smem:$0x3FB9];
	_ =	sdelay $0x3  }
0x34: {  	[smem:$0x3FB9] =	sst s10  }
0x35: {  	s10 =	sld [smem:$0x3FB8];
	_ =	sdelay $0x3  }
0x36: {  	p1 =	seq.s32 s10, $0x1;
	s10 =	sld [smem:$0x3FB9];
	_ =	sdelay $0x3  }
0x37: {  	[smem:$0x3FB9] =	sst s10  }
0x38: {  	s10 =	sld [smem:$0x3FBA]  }
0x39: {  	_ = 	snop;
	(pc) =	sbr.ind lr, $3  }
0x3a: {  	_ = 	snop  }
0x3b: {  	_ = 	snop  }
0x3c: {  	p2 =	seq.s32 s10, $0x1;
	s10 =	sld [smem:$0x3FB9]  }
0x3d: {  	_ =	shalt  }
0x3e: {  	_ =	shalt  }
0x3f: {  	_ =	shalt  }
0x40: {  	_ =	shalt  }
0x41: {  	_ =	shalt  }
0x42: {  	_ =	shalt  }
0x43: {  	_ =	shalt  }
0x44: {  	_ =	shalt  }
0x45: {  	_ =	shalt  }
0x46: {  	_ =	shalt  }
0x47: {  	_ =	shalt  }
0x48: {  	_ =	shalt  }
0x49: {  	_ =	shalt  }
0x4a: {  	_ =	shalt  }
0x4b: {  	_ =	shalt  }
0x4c: {  	_ =	shalt  }
0x4d: {  	_ =	shalt  }
0x4e: {  	_ =	shalt  }
0x4f: {  	_ =	shalt  }
0x50: {  	_ =	shalt  }
0x51: {  	_ =	shalt  }
0x52: {  	_ =	shalt  }
0x53: {  	_ =	shalt  }
0x54: {  	_ =	shalt  }
0x55: {  	_ =	shalt  }
0x56: {  	_ =	shalt  }
0x57: {  	_ =	shalt  }
0x58: {  	_ =	shalt  }
0x59: {  	_ =	shalt  }
0x5a: {  	_ =	shalt  }
0x5b: {  	_ =	shalt  }
0x5c: {  	_ =	shalt  }
0x5d: {  	_ =	shalt  }
0x5e: {  	_ =	shalt  }
0x5f: {  	_ =	shalt  }
0x60: {  	_ =	shalt  }
0x61: {  	_ =	shalt  }
0x62: {  	_ =	shalt  }
0x63: {  	_ =	shalt  }
0x64: {  	_ =	shalt  }
0x65: {  	_ =	shalt  }
0x66: {  	_ =	shalt  }
0x67: {  	_ =	shalt  }
0x68: {  	_ =	shalt  }
0x69: {  	_ =	shalt  }
0x6a: {  	_ =	shalt  }
0x6b: {  	_ =	shalt  }
0x6c: {  	_ =	shalt  }
0x6d: {  	_ =	shalt  }
0x6e: {  	_ =	shalt  }
0x6f: {  	_ =	shalt  }
0x70: {  	_ =	shalt  }
0x71: {  	_ =	shalt  }
0x72: {  	_ =	shalt  }
0x73: {  	_ =	shalt  }
0x74: {  	_ =	shalt  }
0x75: {  	_ =	shalt  }
0x76: {  	_ =	shalt  }
0x77: {  	_ =	shalt  }
0x78: {  	_ =	shalt  }
0x79: {  	_ =	shalt  }
0x7a: {  	_ =	shalt  }
0x7b: {  	_ =	shalt  }
0x7c: {  	_ =	shalt  }
0x7d: {  	_ =	shalt  }
0x7e: {  	_ =	shalt  }
0x7f: {  	_ =	shalt  }
0x80: {  	_ =	shalt  }
0x81: {  	_ =	shalt  }
0x82: {  	_ =	shalt  }
0x83: {  	_ =	shalt  }
0x84: {  	_ =	shalt  }
0x85: {  	_ =	shalt  }
0x86: {  	_ =	shalt  }
0x87: {  	_ =	shalt  }
.Lfunc_end0:
.L_simem_size_0:
called_computation_lowered:
.L_overlay_start_0:
0x88: {  	s2 =	sld [smem:$0x3FD9]  }
0x89: {  	s3 =	sld [smem:$0x3FFE];
	_ =	sdelay $0x1  }
0x8a: {  	s1 =	srdreg.scid  }
0x8b: {  	s0 =	sand.u32 $0x1, s1  }
0x8c: {  	s17 =	sshll.u32 s0, $0xA;
	s2 =	sadd.s32 s3, s2  }
0x8d: {  	s2 =	sadd.s32 s2, s17  }
0x8e: {  	[smem:$0x3FC5] =	sst s2  }
0x8f: {  	_ = 	snop  }
0x90: {  	s2 =	sld [smem:$0x3FC7]  }
0x91: {  	s18 =	sld [smem:$0x3FD0];
	(tm) =	ssettm $0x1  }
0x92: {  	s4 =	sld [smem:$0x3FFB];
	_ =	sdelay $0x3  }
0x93: {  	_ =	strace s4  }
0x94: {  	s4 =	sld [smem:$0x3FFC];
	_ =	sdelay $0x3  }
0x95: {  	_ =	strace s4  }
0x96: {  	s4 =	sld [smem:$0x3FFD];
	_ =	sdelay $0x3  }
0x97: {  	_ =	strace s4  }
0x98: {  	_ =	strace $0x8FFFFFFF  }
0x99: {  	s19 =	sld [smem:$0x3FDB];
	_ =	sdelay $0x1  }
0x9a: {  	s5 =	simm.s32 $_scs_section_size  }
0x9b: {  	s6 =	simm.s32 $_size__tile_overlayer_lowered;
	s7 =	simm.s32 $_tile_overlayer_lowered  }
0x9c: {  	s22 =	simm.s32 $0x1BFF;
	s21 =	sshll.u32 s7, $0x1;
	s4 =	sadd.s32 s5, s19  }
0x9d: {  	s8 =	simm.s32 $0x0;
	s20 =	sshll.u32 s6, $0x1;
	s6 =	sadd.s32 s21, s4  }
0x9e: {  	[timem:s8], [sflag:s22] =	dma.local [hbm:s6], s20  }
0x9f: {  	_ =	swait.ge [sflag:s22], s20  }
0xa0: {  	s5 =	ssub.s32 $0x0, s20;
	[sflag:s22] =	ssyncset.done $0x0  }
0xa1: {  	[sflag:s22] =	ssyncadd.s32 s5;
	_ =	sdelay $0x1  }
0xa2: {  	s23 =	simm.s32 $0x1B8B  }
0xa3: {  	_ =	swait.ge [sflag:s23], $0x1  }
0xa4: {  	[sflag:s23] =	ssyncset.done $0x0  }
0xa5: {  	s25 =	simm.s32 $0x1B8E;
	s24 =	sld [smem:$0x3FFE];
	[sflag:s23] =	ssyncadd.s32 $0xFFFFFFFF  }
0xa6: {  	s26 =	simm.s32 $execute0_lowered;
	[smem:$0x3FD2] =	sst s25  }
0xa7: {  	s6 =	sshll.u32 s26, $0x1;
	_ =	strace $0x80000046;
	[dreg:$0x1] =	wrdreg $0xFFFFFFFF  }
0xa8: {  	s28 =	simm.s32 $_size_execute0_lowered;
	s4 =	sadd.s32 s4, s6;
	[dreg:$0x0] =	wrdreg $0x0  }
0xa9: {  	s6 =	sshll.u32 s28, $0x1;
	[dreg:$0x2] =	wrdreg s4  }
0xaa: {  	[dreg:$0x3] =	wrdreg s6  }
0xab: {  	[dreg:$0x4] =	wrdreg $0xC0  }
0xac: {  	_ =	task [dreg:s8], $0x5FFFF  }
0xad: {  	[dreg:$0x1] =	wrdreg $0xFFFFFFFF  }
0xae: {  	[dreg:$0x0] =	wrdreg $0x60  }
0xaf: {  	[dreg:$0x2] =	wrdreg s24  }
0xb0: {  	[dreg:$0x3] =	wrdreg s2  }
0xb1: {  	[dreg:$0x4] =	wrdreg s18  }
0xb2: {  	[dreg:$0x5] =	wrdreg $0x9  }
0xb3: {  	_ =	task.clear_ibuf [dreg:s8], $0x6FFFF;
	_ =	strace $0x90000046  }
0xb4: {  	s29 =	simm.s32 $0x9;
	_ =	strace $0x80000048  }
0xb5: {  	_ =	swait.ge [sflag:s29], $0x1  }
0xb6: {  	[sflag:s29] =	ssyncadd.s32 $0xFFFFFFFF  }
0xb7: {  	_ =	strace $0x90000048  }
0xb8: {  	_ =	sfence  }
0xb9: {  	s30 =	sld [smem:$0x0];
	_ =	sdelay $0x2  }
0xba: {  	s31 =	sshll.u32 s1, $0xD;
	s1 =	sshrl.u32 s1, $0x2  }
0xbb: {  	s3 =	sand.u32 $0x4000, s31;
	s1 =	sadd.s32 s1, s30  }
0xbc: {  	s0 =	sor.u32 s3, s0;
	s1 =	sshll.u32 s1, $0x11  }
0xbd: {  	s0 =	sor.u32 s1, s0  }
0xbe: {  	s0 =	sadd.s32 $0x8F2B, s0  }
0xbf: {  	[sflag:s0] =	ssyncadd.remote.s32 $0x1  }
0xc0: {  	_ =	sfence.sel $0xFFFF  }
0xc1: {  	[dreg:$0x0] =	wrdreg $0xFFFFFFFF;
	(pc) =	sbr.abs _section_cstart, $3  }
0xc2: {  	[dreg:$0x1] =	wrdreg $0xFFFFFFFF  }
0xc3: {  	_ =	task.clear_ibuf [dreg:s8], $0x2FFFF;
	_ =	strace $0x9FFFFFFF  }
0xc4: {  	(tm) =	ssettm $0x7FFFFFFF  }
0xc5: {  	_ =	shalt  }
tec
execute0_lowered:
.L_overlay_start_1:
0x0: {  	(tag) =	ssettag $0x1  }
0x1: {  	s0 =	rddreg [dreg:$0x0]  }
0x2: {  	s1 =	srdreg.scid;
	s2 =	stileid.u32  }
0x3: {  	s3 =	rddreg [dreg:$0x2];
	s4 =	simm.s32 $0x0;
	s12 =	simm.s32 $0x2  }
0x4: {  	s15 =	simm.s32 $0x1;
	s16 =	simm.s32 $0x0;
	s17 =	simm.s32 $0x0  }
0x5: {  	s1 =	sand.u32 $0x1, s1;
	s2 =	sshll.u32 s2, $0xB;
	[smem:$0x7FF] =	sst s4  }
.Ltmp0:
0x6: {  	s6 =	sadd.s32 $0x400, s0;
	s5 =	sshll.u32 s1, $0xA;
	(pc) =	sbr.rel .LBB2_1-.Ltmp0, $4  }
0x7: {  	s8 =	sadd.s32 $0x100, s3;
	s1 =	ssub.s32 $0x2, s1;
	s5 =	sor.u32 s5, s2  }
0x8: {  	vm0 =	vmmov $0x1;
	v0 =	vlaneseq.u32;
	s9 =	sadd.s32 $0x200, s3;
	s7 =	sshrl.u32 s1, $0x1;
	s2 =	sshrl.u32 s5, $0x3  }
0x9: {  	v1 =	vimm.s32 $0x0;
	vm1 =	vmmov $0xffff;
	s10 =	sadd.s32 $0x300, s3;
	v3 =	vshrl.u32 v0, $0x3;
	s31 =	ssub.s32 s1, s7;
	s2 =	sadd.s32 s2, s0  }
0xa: {  	v2 =	vand.u32 $0x7, v0;
	v4 =	vor.u32 $0x8, v0;
	_ =	strace $0x80000047;
	v3 =	vmul.u32 $0x8, v3;
	s11 =	smax.u32 s31, $0x1;
	s7 =	sadd.s32 $0x800, s2  }
.LBB2_16:
0xb: {  	[sflag:s15] =	ssyncadd.s32 $0xFFFFC000  }
.LBB2_17:
0xc: {  	s16 =	sadd.s32 $0x1, s16  }
0xd: {  	p0 =	sne.s32 s16, s11  }
.Ltmp1:
0xe: {  	_ = 	snop;
	(pc) =	sbr.rel @!p0 .LBB2_18-.Ltmp1, $1  }
0xf: {  	_ =	sdelay $0x3  }
.LBB2_1:
0x10: {  	[tilespmem:s4], [sflag:$0x2] =	stream.linear.gather [hbm4b:s7+s4], $0x400, $0x38;
	[tilespmem:$0x16E00] =	vst v63  }
0x11: {  	_ =	swait.ge [sflag:s12], $0x400  }
0x12: {  	[sflag:s12] =	ssyncset.done $0x0  }
0x13: {  	[sflag:s12] =	ssyncadd.s32 $0xFFFFFC00  }
0x14: {  	s1 =	simm.s32 $0x400;
	s0 =	rddreg [dreg:$0x1]  }
0x15: {  	[tilespmem:s1], [sflag:$0x2] =	stream.linear.gather [hbm4b:s0+s4], $0x1, $0x38;
	[tilespmem:$0x16E00] =	vst v63  }
0x16: {  	_ =	swait.ge [sflag:s12], $0x1  }
0x17: {  	[sflag:s12] =	ssyncset.done $0x0  }
0x18: {  	s31 =	simm.s32 $0x480;
	[sflag:s12] =	ssyncadd.s32 $0xFFFFFFFF  }
0x19: {  	[tilespmem:s31], [sflag:$0x2] =	stream.linear.gather [hbm4b:s6+s4], $0x1400, $0x38;
	[tilespmem:$0x16E00] =	vst v63  }
0x1a: {  	_ =	swait.ge [sflag:s12], $0x1400  }
0x1b: {  	[sflag:s12] =	ssyncset.done $0x0  }
0x1c: {  	[sflag:s12] =	ssyncadd.s32 $0xFFFFEC00  }
0x1d: {  	v5 =	vld [tilespmem:$0x400];
	_ =	sdelay $0x4  }
0x1e: {  	v5 =	vnsel vm0, $0x7F7FC99E, v5  }
0x1f: {  	(xrf0) =	vmin.scan.msk.f32 $0xffff, v5;
	_ =	sdelay $0x5  }
0x20: {  	v5, _, _ =	vpop (xrf0)  }
0x21: {  	s0 =	simm.s32 $0x0;
	s1 =	simm.s32 $0x40;
	v5 =	vbroadcast v5, $0xF  }
.LBB2_2:
0x22: {  	p0 =	sne.s32 s1, $0x4FC0;
	v6 =	vld [tilespmem:s0+$0x480];
	_ =	sdelay $0x2  }
.Ltmp2:
0x23: {  	(pc) =	sbr.rel @p0 .LBB2_2-.Ltmp2, $3  }
0x24: {  	_ = 	snop  }
0x25: {  	v6 =	vmul.f32 v6, v5;
	_ =	sdelay $0x1  }
0x26: {  	[tilespmem:s0+$0x480] =	vst v6;
	s0 =	sshra.s32 s1, $0x2;
	s1 =	sadd.s32 $0x40, s1  }
0x27: {  	v6 =	vld [tilespmem:s0+$0x480];
	_ =	sdelay $0x2  }
.Ltmp3:
0x28: {  	_ = 	snop;
	(pc) =	sbr.rel .LBB2_4-.Ltmp3, $4  }
0x29: {  	_ = 	snop  }
0x2a: {  	v5 =	vmul.f32 v6, v5  }
0x2b: {  	s18 =	simm.s32 $0x15880  }
0x2c: {  	s13 =	simm.s32 $0x0;
	s19 =	simm.s32 $0x0;
	s20 =	simm.s32 $0x0;
	[tilespmem:s0+$0x480] =	vst v5  }
.LBB2_11:
0x2d: {  	[sflag:s2] =	ssyncset.done @!p1 $0x0  }
0x2e: {  	s19 =	sadd.s32 s24, s19;
	s13 =	smov.u32 s22;
	[sflag:s2] =	ssyncadd.s32 @!p1 $0xFFFFC000  }
.LBB2_12:
0x2f: {  	s20 =	sadd.s32 $0x1, s20  }
0x30: {  	p0 =	sne.s32 s20, $0x5  }
.Ltmp4:
0x31: {  	_ = 	snop;
	(pc) =	sbr.rel @!p0 .LBB2_13-.Ltmp4, $2  }
0x32: {  	_ =	sdelay $0x2  }
0x33: {  	s18 =	sadd.s32 $0x440, s18  }
.LBB2_4:
0x34: {  	s1 =	sshll.u32 s20, $0xA  }
0x35: {  	s24 =	sand.u32 $0x3FFFFC00, s1  }
0x36: {  	s0 =	sshll.u32 s20, $0xE;
	v5 =	vld [tilespmem:s24+$0x480]  }
0x37: {  	s23 =	sand.u32 $0x3FFFC000, s0  }
0x38: {  	s30 =	sand.u32 $0x2000, s17;
	s21 =	sor.u32 $0x1880, s23  }
0x39: {  	s31 =	sand.u32 $0x380, s17;
	s0 =	sadd.s32 s30, s21  }
0x3a: {  	s25 =	sadd.s32 s31, s0  }
0x3b: {  	[tilespmem:s25+$0x0] =	vst v5  }
0x3c: {  	v5 =	vld [tilespmem:s24+$0x490];
	_ =	sdelay $0x4  }
0x3d: {  	[tilespmem:s25+$0x10] =	vst v5  }
0x3e: {  	v5 =	vld [tilespmem:s24+$0x4A0];
	_ =	sdelay $0x4  }
0x3f: {  	[tilespmem:s25+$0x20] =	vst v5  }
0x40: {  	v5 =	vld [tilespmem:s24+$0x4B0];
	_ =	sdelay $0x4  }
0x41: {  	[tilespmem:s25+$0x30] =	vst v5  }
0x42: {  	v5 =	vld [tilespmem:s24+$0x4C0];
	_ =	sdelay $0x4  }
0x43: {  	[tilespmem:s25+$0x40] =	vst v5  }
0x44: {  	v5 =	vld [tilespmem:s24+$0x4D0];
	_ =	sdelay $0x4  }
0x45: {  	[tilespmem:s25+$0x50] =	vst v5  }
0x46: {  	v5 =	vld [tilespmem:s24+$0x4E0];
	_ =	sdelay $0x4  }
0x47: {  	[tilespmem:s25+$0x60] =	vst v5  }
0x48: {  	v5 =	vld [tilespmem:s24+$0x4F0];
	_ =	sdelay $0x4  }
0x49: {  	[tilespmem:s25+$0x70] =	vst v5  }
0x4a: {  	v5 =	vld [tilespmem:s24+$0x500];
	_ =	sdelay $0x4  }
0x4b: {  	[tilespmem:s25+$0x400] =	vst v5  }
0x4c: {  	v5 =	vld [tilespmem:s24+$0x510];
	_ =	sdelay $0x4  }
0x4d: {  	[tilespmem:s25+$0x410] =	vst v5  }
0x4e: {  	v5 =	vld [tilespmem:s24+$0x520];
	_ =	sdelay $0x4  }
0x4f: {  	[tilespmem:s25+$0x420] =	vst v5  }
0x50: {  	v5 =	vld [tilespmem:s24+$0x530];
	_ =	sdelay $0x4  }
0x51: {  	[tilespmem:s25+$0x430] =	vst v5  }
0x52: {  	v5 =	vld [tilespmem:s24+$0x540];
	_ =	sdelay $0x4  }
0x53: {  	[tilespmem:s25+$0x440] =	vst v5  }
0x54: {  	v5 =	vld [tilespmem:s24+$0x550];
	_ =	sdelay $0x4  }
0x55: {  	[tilespmem:s25+$0x450] =	vst v5  }
0x56: {  	v5 =	vld [tilespmem:s24+$0x560];
	_ =	sdelay $0x4  }
0x57: {  	[tilespmem:s25+$0x460] =	vst v5  }
0x58: {  	v5 =	vld [tilespmem:s24+$0x570];
	_ =	sdelay $0x4  }
0x59: {  	[tilespmem:s25+$0x470] =	vst v5  }
0x5a: {  	v5 =	vld [tilespmem:s24+$0x580];
	_ =	sdelay $0x4  }
0x5b: {  	[tilespmem:s25+$0x800] =	vst v5  }
0x5c: {  	v5 =	vld [tilespmem:s24+$0x590];
	_ =	sdelay $0x4  }
0x5d: {  	[tilespmem:s25+$0x810] =	vst v5  }
0x5e: {  	v5 =	vld [tilespmem:s24+$0x5A0];
	_ =	sdelay $0x4  }
0x5f: {  	[tilespmem:s25+$0x820] =	vst v5  }
0x60: {  	v5 =	vld [tilespmem:s24+$0x5B0];
	_ =	sdelay $0x4  }
0x61: {  	[tilespmem:s25+$0x830] =	vst v5  }
0x62: {  	v5 =	vld [tilespmem:s24+$0x5C0];
	_ =	sdelay $0x4  }
0x63: {  	[tilespmem:s25+$0x840] =	vst v5  }
0x64: {  	v5 =	vld [tilespmem:s24+$0x5D0];
	_ =	sdelay $0x4  }
0x65: {  	[tilespmem:s25+$0x850] =	vst v5  }
0x66: {  	v5 =	vld [tilespmem:s24+$0x5E0];
	_ =	sdelay $0x4  }
0x67: {  	[tilespmem:s25+$0x860] =	vst v5  }
0x68: {  	v5 =	vld [tilespmem:s24+$0x5F0];
	_ =	sdelay $0x4  }
0x69: {  	[tilespmem:s25+$0x870] =	vst v5  }
0x6a: {  	v5 =	vld [tilespmem:s24+$0x600];
	_ =	sdelay $0x4  }
0x6b: {  	[tilespmem:s25+$0xC00] =	vst v5  }
0x6c: {  	v5 =	vld [tilespmem:s24+$0x610];
	_ =	sdelay $0x4  }
0x6d: {  	[tilespmem:s25+$0xC10] =	vst v5  }
0x6e: {  	v5 =	vld [tilespmem:s24+$0x620];
	_ =	sdelay $0x4  }
0x6f: {  	[tilespmem:s25+$0xC20] =	vst v5  }
0x70: {  	v5 =	vld [tilespmem:s24+$0x630];
	_ =	sdelay $0x4  }
0x71: {  	[tilespmem:s25+$0xC30] =	vst v5  }
0x72: {  	v5 =	vld [tilespmem:s24+$0x640];
	_ =	sdelay $0x4  }
0x73: {  	[tilespmem:s25+$0xC40] =	vst v5  }
0x74: {  	v5 =	vld [tilespmem:s24+$0x650];
	_ =	sdelay $0x4  }
0x75: {  	[tilespmem:s25+$0xC50] =	vst v5  }
0x76: {  	v5 =	vld [tilespmem:s24+$0x660];
	_ =	sdelay $0x4  }
0x77: {  	[tilespmem:s25+$0xC60] =	vst v5  }
0x78: {  	v5 =	vld [tilespmem:s24+$0x670];
	_ =	sdelay $0x4  }
0x79: {  	[tilespmem:s25+$0xC70] =	vst v5  }
0x7a: {  	v5 =	vld [tilespmem:s24+$0x680];
	_ =	sdelay $0x4  }
0x7b: {  	[tilespmem:s25+$0x1000] =	vst v5  }
0x7c: {  	v5 =	vld [tilespmem:s24+$0x690];
	_ =	sdelay $0x4  }
0x7d: {  	[tilespmem:s25+$0x1010] =	vst v5  }
0x7e: {  	v5 =	vld [tilespmem:s24+$0x6A0];
	_ =	sdelay $0x4  }
0x7f: {  	[tilespmem:s25+$0x1020] =	vst v5  }
0x80: {  	v5 =	vld [tilespmem:s24+$0x6B0];
	_ =	sdelay $0x4  }
0x81: {  	[tilespmem:s25+$0x1030] =	vst v5  }
0x82: {  	v5 =	vld [tilespmem:s24+$0x6C0];
	_ =	sdelay $0x4  }
0x83: {  	[tilespmem:s25+$0x1040] =	vst v5  }
0x84: {  	v5 =	vld [tilespmem:s24+$0x6D0];
	_ =	sdelay $0x4  }
0x85: {  	[tilespmem:s25+$0x1050] =	vst v5  }
0x86: {  	v5 =	vld [tilespmem:s24+$0x6E0];
	_ =	sdelay $0x4  }
0x87: {  	[tilespmem:s25+$0x1060] =	vst v5  }
0x88: {  	v5 =	vld [tilespmem:s24+$0x6F0];
	_ =	sdelay $0x4  }
0x89: {  	[tilespmem:s25+$0x1070] =	vst v5  }
0x8a: {  	v5 =	vld [tilespmem:s24+$0x700];
	_ =	sdelay $0x4  }
0x8b: {  	[tilespmem:s25+$0x1400] =	vst v5  }
0x8c: {  	v5 =	vld [tilespmem:s24+$0x710];
	_ =	sdelay $0x4  }
0x8d: {  	[tilespmem:s25+$0x1410] =	vst v5  }
0x8e: {  	v5 =	vld [tilespmem:s24+$0x720];
	_ =	sdelay $0x4  }
0x8f: {  	[tilespmem:s25+$0x1420] =	vst v5  }
0x90: {  	v5 =	vld [tilespmem:s24+$0x730];
	_ =	sdelay $0x4  }
0x91: {  	[tilespmem:s25+$0x1430] =	vst v5  }
0x92: {  	v5 =	vld [tilespmem:s24+$0x740];
	_ =	sdelay $0x4  }
0x93: {  	[tilespmem:s25+$0x1440] =	vst v5  }
0x94: {  	v5 =	vld [tilespmem:s24+$0x750];
	_ =	sdelay $0x4  }
0x95: {  	[tilespmem:s25+$0x1450] =	vst v5  }
0x96: {  	v5 =	vld [tilespmem:s24+$0x760];
	_ =	sdelay $0x4  }
0x97: {  	[tilespmem:s25+$0x1460] =	vst v5  }
0x98: {  	v5 =	vld [tilespmem:s24+$0x770];
	_ =	sdelay $0x4  }
0x99: {  	[tilespmem:s25+$0x1470] =	vst v5  }
0x9a: {  	v5 =	vld [tilespmem:s24+$0x780];
	_ =	sdelay $0x4  }
0x9b: {  	[tilespmem:s25+$0x1800] =	vst v5  }
0x9c: {  	v5 =	vld [tilespmem:s24+$0x790];
	_ =	sdelay $0x4  }
0x9d: {  	[tilespmem:s25+$0x1810] =	vst v5  }
0x9e: {  	v5 =	vld [tilespmem:s24+$0x7A0];
	_ =	sdelay $0x4  }
0x9f: {  	[tilespmem:s25+$0x1820] =	vst v5  }
0xa0: {  	v5 =	vld [tilespmem:s24+$0x7B0];
	_ =	sdelay $0x4  }
0xa1: {  	[tilespmem:s25+$0x1830] =	vst v5  }
0xa2: {  	v5 =	vld [tilespmem:s24+$0x7C0];
	_ =	sdelay $0x4  }
0xa3: {  	[tilespmem:s25+$0x1840] =	vst v5  }
0xa4: {  	v5 =	vld [tilespmem:s24+$0x7D0];
	_ =	sdelay $0x4  }
0xa5: {  	[tilespmem:s25+$0x1850] =	vst v5  }
0xa6: {  	v5 =	vld [tilespmem:s24+$0x7E0];
	_ =	sdelay $0x4  }
0xa7: {  	[tilespmem:s25+$0x1860] =	vst v5  }
0xa8: {  	v5 =	vld [tilespmem:s24+$0x7F0];
	_ =	sdelay $0x4  }
0xa9: {  	[tilespmem:s25+$0x1870] =	vst v5  }
0xaa: {  	v5 =	vld [tilespmem:s24+$0x800];
	_ =	sdelay $0x4  }
0xab: {  	[tilespmem:s25+$0x1C00] =	vst v5  }
0xac: {  	v5 =	vld [tilespmem:s24+$0x810];
	_ =	sdelay $0x4  }
0xad: {  	[tilespmem:s25+$0x1C10] =	vst v5  }
0xae: {  	v5 =	vld [tilespmem:s24+$0x820];
	_ =	sdelay $0x4  }
0xaf: {  	[tilespmem:s25+$0x1C20] =	vst v5  }
0xb0: {  	v5 =	vld [tilespmem:s24+$0x830];
	_ =	sdelay $0x4  }
0xb1: {  	[tilespmem:s25+$0x1C30] =	vst v5  }
0xb2: {  	v5 =	vld [tilespmem:s24+$0x840];
	_ =	sdelay $0x4  }
0xb3: {  	[tilespmem:s25+$0x1C40] =	vst v5  }
0xb4: {  	v5 =	vld [tilespmem:s24+$0x850];
	_ =	sdelay $0x4  }
0xb5: {  	[tilespmem:s25+$0x1C50] =	vst v5  }
0xb6: {  	v5 =	vld [tilespmem:s24+$0x860];
	_ =	sdelay $0x4  }
0xb7: {  	[tilespmem:s25+$0x1C60] =	vst v5  }
0xb8: {  	v5 =	vld [tilespmem:s24+$0x870];
	_ =	sdelay $0x4  }
0xb9: {  	[tilespmem:s25+$0x1C70] =	vst v5  }
0xba: {  	s28 =	simm.s32 $0x800;
	s26 =	simm.s32 $0x0;
	s25 =	simm.s32 $0x400;
	v5 =	vld [tilespmem:s24+$0x480]  }
.LBB2_5:
0xbb: {  	p0 =	seq.s32 s28, $0x3C00  }
0xbc: {  	s0 =	sand.u32 $0x2000, s25;
	s26 =	sadd.s32 $0x80, s26;
	s25 =	smov.u32 s28  }
0xbd: {  	s1 =	sand.u32 $0x380, s26;
	s0 =	sadd.s32 s0, s21  }
0xbe: {  	s29 =	sadd.s32 s1, s0  }
0xbf: {  	[tilespmem:s29+$0x0] =	vst v5  }
0xc0: {  	v5 =	vld [tilespmem:s24+$0x490];
	_ =	sdelay $0x4  }
0xc1: {  	[tilespmem:s29+$0x10] =	vst v5  }
0xc2: {  	v5 =	vld [tilespmem:s24+$0x4A0];
	_ =	sdelay $0x4  }
0xc3: {  	[tilespmem:s29+$0x20] =	vst v5  }
0xc4: {  	v5 =	vld [tilespmem:s24+$0x4B0];
	_ =	sdelay $0x4  }
0xc5: {  	[tilespmem:s29+$0x30] =	vst v5  }
0xc6: {  	v5 =	vld [tilespmem:s24+$0x4C0];
	_ =	sdelay $0x4  }
0xc7: {  	[tilespmem:s29+$0x40] =	vst v5  }
0xc8: {  	v5 =	vld [tilespmem:s24+$0x4D0];
	_ =	sdelay $0x4  }
0xc9: {  	[tilespmem:s29+$0x50] =	vst v5  }
0xca: {  	v5 =	vld [tilespmem:s24+$0x4E0];
	_ =	sdelay $0x4  }
0xcb: {  	[tilespmem:s29+$0x60] =	vst v5  }
0xcc: {  	v5 =	vld [tilespmem:s24+$0x4F0];
	_ =	sdelay $0x4  }
0xcd: {  	[tilespmem:s29+$0x70] =	vst v5  }
0xce: {  	v5 =	vld [tilespmem:s24+$0x500];
	_ =	sdelay $0x4  }
0xcf: {  	[tilespmem:s29+$0x400] =	vst v5  }
0xd0: {  	v5 =	vld [tilespmem:s24+$0x510];
	_ =	sdelay $0x4  }
0xd1: {  	[tilespmem:s29+$0x410] =	vst v5  }
0xd2: {  	v5 =	vld [tilespmem:s24+$0x520];
	_ =	sdelay $0x4  }
0xd3: {  	[tilespmem:s29+$0x420] =	vst v5  }
0xd4: {  	v5 =	vld [tilespmem:s24+$0x530];
	_ =	sdelay $0x4  }
0xd5: {  	[tilespmem:s29+$0x430] =	vst v5  }
0xd6: {  	v5 =	vld [tilespmem:s24+$0x540];
	_ =	sdelay $0x4  }
0xd7: {  	[tilespmem:s29+$0x440] =	vst v5  }
0xd8: {  	v5 =	vld [tilespmem:s24+$0x550];
	_ =	sdelay $0x4  }
0xd9: {  	[tilespmem:s29+$0x450] =	vst v5  }
0xda: {  	v5 =	vld [tilespmem:s24+$0x560];
	_ =	sdelay $0x4  }
0xdb: {  	[tilespmem:s29+$0x460] =	vst v5  }
0xdc: {  	v5 =	vld [tilespmem:s24+$0x570];
	_ =	sdelay $0x4  }
0xdd: {  	[tilespmem:s29+$0x470] =	vst v5  }
0xde: {  	v5 =	vld [tilespmem:s24+$0x580];
	_ =	sdelay $0x4  }
0xdf: {  	[tilespmem:s29+$0x800] =	vst v5  }
0xe0: {  	v5 =	vld [tilespmem:s24+$0x590];
	_ =	sdelay $0x4  }
0xe1: {  	[tilespmem:s29+$0x810] =	vst v5  }
0xe2: {  	v5 =	vld [tilespmem:s24+$0x5A0];
	_ =	sdelay $0x4  }
0xe3: {  	[tilespmem:s29+$0x820] =	vst v5  }
0xe4: {  	v5 =	vld [tilespmem:s24+$0x5B0];
	_ =	sdelay $0x4  }
0xe5: {  	[tilespmem:s29+$0x830] =	vst v5  }
0xe6: {  	v5 =	vld [tilespmem:s24+$0x5C0];
	_ =	sdelay $0x4  }
0xe7: {  	[tilespmem:s29+$0x840] =	vst v5  }
0xe8: {  	v5 =	vld [tilespmem:s24+$0x5D0];
	_ =	sdelay $0x4  }
0xe9: {  	[tilespmem:s29+$0x850] =	vst v5  }
0xea: {  	v5 =	vld [tilespmem:s24+$0x5E0];
	_ =	sdelay $0x4  }
0xeb: {  	[tilespmem:s29+$0x860] =	vst v5  }
0xec: {  	v5 =	vld [tilespmem:s24+$0x5F0];
	_ =	sdelay $0x4  }
0xed: {  	[tilespmem:s29+$0x870] =	vst v5  }
0xee: {  	v5 =	vld [tilespmem:s24+$0x600];
	_ =	sdelay $0x4  }
0xef: {  	[tilespmem:s29+$0xC00] =	vst v5  }
0xf0: {  	v5 =	vld [tilespmem:s24+$0x610];
	_ =	sdelay $0x4  }
0xf1: {  	[tilespmem:s29+$0xC10] =	vst v5  }
0xf2: {  	v5 =	vld [tilespmem:s24+$0x620];
	_ =	sdelay $0x4  }
0xf3: {  	[tilespmem:s29+$0xC20] =	vst v5  }
0xf4: {  	v5 =	vld [tilespmem:s24+$0x630];
	_ =	sdelay $0x4  }
0xf5: {  	[tilespmem:s29+$0xC30] =	vst v5  }
0xf6: {  	v5 =	vld [tilespmem:s24+$0x640];
	_ =	sdelay $0x4  }
0xf7: {  	[tilespmem:s29+$0xC40] =	vst v5  }
0xf8: {  	v5 =	vld [tilespmem:s24+$0x650];
	_ =	sdelay $0x4  }
0xf9: {  	[tilespmem:s29+$0xC50] =	vst v5  }
0xfa: {  	v5 =	vld [tilespmem:s24+$0x660];
	_ =	sdelay $0x4  }
0xfb: {  	[tilespmem:s29+$0xC60] =	vst v5  }
0xfc: {  	v5 =	vld [tilespmem:s24+$0x670];
	_ =	sdelay $0x4  }
0xfd: {  	[tilespmem:s29+$0xC70] =	vst v5  }
0xfe: {  	v5 =	vld [tilespmem:s24+$0x680];
	_ =	sdelay $0x4  }
0xff: {  	[tilespmem:s29+$0x1000] =	vst v5  }
0x100: {  	v5 =	vld [tilespmem:s24+$0x690];
	_ =	sdelay $0x4  }
0x101: {  	[tilespmem:s29+$0x1010] =	vst v5  }
0x102: {  	v5 =	vld [tilespmem:s24+$0x6A0];
	_ =	sdelay $0x4  }
0x103: {  	[tilespmem:s29+$0x1020] =	vst v5  }
0x104: {  	v5 =	vld [tilespmem:s24+$0x6B0];
	_ =	sdelay $0x4  }
0x105: {  	[tilespmem:s29+$0x1030] =	vst v5  }
0x106: {  	v5 =	vld [tilespmem:s24+$0x6C0];
	_ =	sdelay $0x4  }
0x107: {  	[tilespmem:s29+$0x1040] =	vst v5  }
0x108: {  	v5 =	vld [tilespmem:s24+$0x6D0];
	_ =	sdelay $0x4  }
0x109: {  	[tilespmem:s29+$0x1050] =	vst v5  }
0x10a: {  	v5 =	vld [tilespmem:s24+$0x6E0];
	_ =	sdelay $0x4  }
0x10b: {  	[tilespmem:s29+$0x1060] =	vst v5  }
0x10c: {  	v5 =	vld [tilespmem:s24+$0x6F0];
	_ =	sdelay $0x4  }
0x10d: {  	[tilespmem:s29+$0x1070] =	vst v5  }
0x10e: {  	v5 =	vld [tilespmem:s24+$0x700];
	_ =	sdelay $0x4  }
0x10f: {  	[tilespmem:s29+$0x1400] =	vst v5  }
0x110: {  	v5 =	vld [tilespmem:s24+$0x710];
	_ =	sdelay $0x4  }
0x111: {  	[tilespmem:s29+$0x1410] =	vst v5  }
0x112: {  	v5 =	vld [tilespmem:s24+$0x720];
	_ =	sdelay $0x4  }
0x113: {  	[tilespmem:s29+$0x1420] =	vst v5  }
0x114: {  	v5 =	vld [tilespmem:s24+$0x730];
	_ =	sdelay $0x4  }
0x115: {  	[tilespmem:s29+$0x1430] =	vst v5  }
0x116: {  	v5 =	vld [tilespmem:s24+$0x740];
	_ =	sdelay $0x4  }
0x117: {  	[tilespmem:s29+$0x1440] =	vst v5  }
0x118: {  	v5 =	vld [tilespmem:s24+$0x750];
	_ =	sdelay $0x4  }
0x119: {  	[tilespmem:s29+$0x1450] =	vst v5  }
0x11a: {  	v5 =	vld [tilespmem:s24+$0x760];
	_ =	sdelay $0x4  }
0x11b: {  	[tilespmem:s29+$0x1460] =	vst v5  }
0x11c: {  	v5 =	vld [tilespmem:s24+$0x770];
	_ =	sdelay $0x4  }
0x11d: {  	[tilespmem:s29+$0x1470] =	vst v5  }
0x11e: {  	v5 =	vld [tilespmem:s24+$0x780];
	_ =	sdelay $0x4  }
0x11f: {  	[tilespmem:s29+$0x1800] =	vst v5  }
0x120: {  	v5 =	vld [tilespmem:s24+$0x790];
	_ =	sdelay $0x4  }
0x121: {  	[tilespmem:s29+$0x1810] =	vst v5  }
0x122: {  	v5 =	vld [tilespmem:s24+$0x7A0];
	_ =	sdelay $0x4  }
0x123: {  	[tilespmem:s29+$0x1820] =	vst v5  }
0x124: {  	v5 =	vld [tilespmem:s24+$0x7B0];
	_ =	sdelay $0x4  }
0x125: {  	[tilespmem:s29+$0x1830] =	vst v5  }
0x126: {  	v5 =	vld [tilespmem:s24+$0x7C0];
	_ =	sdelay $0x4  }
0x127: {  	[tilespmem:s29+$0x1840] =	vst v5  }
0x128: {  	v5 =	vld [tilespmem:s24+$0x7D0];
	_ =	sdelay $0x4  }
0x129: {  	[tilespmem:s29+$0x1850] =	vst v5  }
0x12a: {  	v5 =	vld [tilespmem:s24+$0x7E0];
	_ =	sdelay $0x4  }
0x12b: {  	[tilespmem:s29+$0x1860] =	vst v5  }
0x12c: {  	v5 =	vld [tilespmem:s24+$0x7F0];
	_ =	sdelay $0x4  }
0x12d: {  	[tilespmem:s29+$0x1870] =	vst v5  }
0x12e: {  	v5 =	vld [tilespmem:s24+$0x800];
	_ =	sdelay $0x4  }
0x12f: {  	[tilespmem:s29+$0x1C00] =	vst v5  }
0x130: {  	v5 =	vld [tilespmem:s24+$0x810];
	_ =	sdelay $0x4  }
0x131: {  	[tilespmem:s29+$0x1C10] =	vst v5  }
0x132: {  	v5 =	vld [tilespmem:s24+$0x820];
	_ =	sdelay $0x4  }
0x133: {  	[tilespmem:s29+$0x1C20] =	vst v5  }
0x134: {  	v5 =	vld [tilespmem:s24+$0x830];
	_ =	sdelay $0x4  }
0x135: {  	[tilespmem:s29+$0x1C30] =	vst v5  }
0x136: {  	v5 =	vld [tilespmem:s24+$0x840];
	_ =	sdelay $0x4  }
0x137: {  	[tilespmem:s29+$0x1C40] =	vst v5  }
0x138: {  	v5 =	vld [tilespmem:s24+$0x850];
	_ =	sdelay $0x4  }
0x139: {  	[tilespmem:s29+$0x1C50] =	vst v5  }
0x13a: {  	v5 =	vld [tilespmem:s24+$0x860];
	_ =	sdelay $0x4  }
0x13b: {  	[tilespmem:s29+$0x1C60] =	vst v5  }
0x13c: {  	v5 =	vld [tilespmem:s24+$0x870];
	_ =	sdelay $0x1  }
.Ltmp5:
0x13d: {  	(pc) =	sbr.rel @!p0 .LBB2_5-.Ltmp5, $3  }
0x13e: {  	_ =	sdelay $0x1  }
0x13f: {  	[tilespmem:s29+$0x1C70] =	vst v5  }
0x140: {  	s28 =	sadd.s32 $0x400, s28;
	v5 =	vld [tilespmem:s24+$0x480]  }
0x141: {  	_ = 	snop  }
0x142: {  	s0 =	sand.u32 $0x2000, s25;
	s1 =	sadd.s32 $0x80, s26  }
0x143: {  	s1 =	sand.u32 $0x380, s1;
	s0 =	sadd.s32 s0, s21  }
0x144: {  	s30 =	sadd.s32 s1, s0  }
0x145: {  	[tilespmem:s30+$0x0] =	vst v5  }
0x146: {  	v5 =	vld [tilespmem:s24+$0x490];
	_ =	sdelay $0x4  }
0x147: {  	[tilespmem:s30+$0x10] =	vst v5  }
0x148: {  	v5 =	vld [tilespmem:s24+$0x4A0];
	_ =	sdelay $0x4  }
0x149: {  	[tilespmem:s30+$0x20] =	vst v5  }
0x14a: {  	v5 =	vld [tilespmem:s24+$0x4B0];
	_ =	sdelay $0x4  }
0x14b: {  	[tilespmem:s30+$0x30] =	vst v5  }
0x14c: {  	v5 =	vld [tilespmem:s24+$0x4C0];
	_ =	sdelay $0x4  }
0x14d: {  	[tilespmem:s30+$0x40] =	vst v5  }
0x14e: {  	v5 =	vld [tilespmem:s24+$0x4D0];
	_ =	sdelay $0x4  }
0x14f: {  	[tilespmem:s30+$0x50] =	vst v5  }
0x150: {  	v5 =	vld [tilespmem:s24+$0x4E0];
	_ =	sdelay $0x4  }
0x151: {  	[tilespmem:s30+$0x60] =	vst v5  }
0x152: {  	v5 =	vld [tilespmem:s24+$0x4F0];
	_ =	sdelay $0x4  }
0x153: {  	[tilespmem:s30+$0x70] =	vst v5  }
0x154: {  	v5 =	vld [tilespmem:s24+$0x500];
	_ =	sdelay $0x4  }
0x155: {  	[tilespmem:s30+$0x400] =	vst v5  }
0x156: {  	v5 =	vld [tilespmem:s24+$0x510];
	_ =	sdelay $0x4  }
0x157: {  	[tilespmem:s30+$0x410] =	vst v5  }
0x158: {  	v5 =	vld [tilespmem:s24+$0x520];
	_ =	sdelay $0x4  }
0x159: {  	[tilespmem:s30+$0x420] =	vst v5  }
0x15a: {  	v5 =	vld [tilespmem:s24+$0x530];
	_ =	sdelay $0x4  }
0x15b: {  	[tilespmem:s30+$0x430] =	vst v5  }
0x15c: {  	v5 =	vld [tilespmem:s24+$0x540];
	_ =	sdelay $0x4  }
0x15d: {  	[tilespmem:s30+$0x440] =	vst v5  }
0x15e: {  	v5 =	vld [tilespmem:s24+$0x550];
	_ =	sdelay $0x4  }
0x15f: {  	[tilespmem:s30+$0x450] =	vst v5  }
0x160: {  	v5 =	vld [tilespmem:s24+$0x560];
	_ =	sdelay $0x4  }
0x161: {  	[tilespmem:s30+$0x460] =	vst v5  }
0x162: {  	v5 =	vld [tilespmem:s24+$0x570];
	_ =	sdelay $0x4  }
0x163: {  	[tilespmem:s30+$0x470] =	vst v5  }
0x164: {  	v5 =	vld [tilespmem:s24+$0x580];
	_ =	sdelay $0x4  }
0x165: {  	[tilespmem:s30+$0x800] =	vst v5  }
0x166: {  	v5 =	vld [tilespmem:s24+$0x590];
	_ =	sdelay $0x4  }
0x167: {  	[tilespmem:s30+$0x810] =	vst v5  }
0x168: {  	v5 =	vld [tilespmem:s24+$0x5A0];
	_ =	sdelay $0x4  }
0x169: {  	[tilespmem:s30+$0x820] =	vst v5  }
0x16a: {  	v5 =	vld [tilespmem:s24+$0x5B0];
	_ =	sdelay $0x4  }
0x16b: {  	[tilespmem:s30+$0x830] =	vst v5  }
0x16c: {  	v5 =	vld [tilespmem:s24+$0x5C0];
	_ =	sdelay $0x4  }
0x16d: {  	[tilespmem:s30+$0x840] =	vst v5  }
0x16e: {  	v5 =	vld [tilespmem:s24+$0x5D0];
	_ =	sdelay $0x4  }
0x16f: {  	[tilespmem:s30+$0x850] =	vst v5  }
0x170: {  	v5 =	vld [tilespmem:s24+$0x5E0];
	_ =	sdelay $0x4  }
0x171: {  	[tilespmem:s30+$0x860] =	vst v5  }
0x172: {  	v5 =	vld [tilespmem:s24+$0x5F0];
	_ =	sdelay $0x4  }
0x173: {  	[tilespmem:s30+$0x870] =	vst v5  }
0x174: {  	v5 =	vld [tilespmem:s24+$0x600];
	_ =	sdelay $0x4  }
0x175: {  	[tilespmem:s30+$0xC00] =	vst v5  }
0x176: {  	v5 =	vld [tilespmem:s24+$0x610];
	_ =	sdelay $0x4  }
0x177: {  	[tilespmem:s30+$0xC10] =	vst v5  }
0x178: {  	v5 =	vld [tilespmem:s24+$0x620];
	_ =	sdelay $0x4  }
0x179: {  	[tilespmem:s30+$0xC20] =	vst v5  }
0x17a: {  	v5 =	vld [tilespmem:s24+$0x630];
	_ =	sdelay $0x4  }
0x17b: {  	[tilespmem:s30+$0xC30] =	vst v5  }
0x17c: {  	v5 =	vld [tilespmem:s24+$0x640];
	_ =	sdelay $0x4  }
0x17d: {  	[tilespmem:s30+$0xC40] =	vst v5  }
0x17e: {  	v5 =	vld [tilespmem:s24+$0x650];
	_ =	sdelay $0x4  }
0x17f: {  	[tilespmem:s30+$0xC50] =	vst v5  }
0x180: {  	v5 =	vld [tilespmem:s24+$0x660];
	_ =	sdelay $0x4  }
0x181: {  	[tilespmem:s30+$0xC60] =	vst v5  }
0x182: {  	v5 =	vld [tilespmem:s24+$0x670];
	_ =	sdelay $0x4  }
0x183: {  	[tilespmem:s30+$0xC70] =	vst v5  }
0x184: {  	v5 =	vld [tilespmem:s24+$0x680];
	_ =	sdelay $0x4  }
0x185: {  	[tilespmem:s30+$0x1000] =	vst v5  }
0x186: {  	v5 =	vld [tilespmem:s24+$0x690];
	_ =	sdelay $0x4  }
0x187: {  	[tilespmem:s30+$0x1010] =	vst v5  }
0x188: {  	v5 =	vld [tilespmem:s24+$0x6A0];
	_ =	sdelay $0x4  }
0x189: {  	[tilespmem:s30+$0x1020] =	vst v5  }
0x18a: {  	v5 =	vld [tilespmem:s24+$0x6B0];
	_ =	sdelay $0x4  }
0x18b: {  	[tilespmem:s30+$0x1030] =	vst v5  }
0x18c: {  	v5 =	vld [tilespmem:s24+$0x6C0];
	_ =	sdelay $0x4  }
0x18d: {  	[tilespmem:s30+$0x1040] =	vst v5  }
0x18e: {  	v5 =	vld [tilespmem:s24+$0x6D0];
	_ =	sdelay $0x4  }
0x18f: {  	[tilespmem:s30+$0x1050] =	vst v5  }
0x190: {  	v5 =	vld [tilespmem:s24+$0x6E0];
	_ =	sdelay $0x4  }
0x191: {  	[tilespmem:s30+$0x1060] =	vst v5  }
0x192: {  	v5 =	vld [tilespmem:s24+$0x6F0];
	_ =	sdelay $0x4  }
0x193: {  	[tilespmem:s30+$0x1070] =	vst v5  }
0x194: {  	v5 =	vld [tilespmem:s24+$0x700];
	_ =	sdelay $0x4  }
0x195: {  	[tilespmem:s30+$0x1400] =	vst v5  }
0x196: {  	v5 =	vld [tilespmem:s24+$0x710];
	_ =	sdelay $0x4  }
0x197: {  	[tilespmem:s30+$0x1410] =	vst v5  }
0x198: {  	v5 =	vld [tilespmem:s24+$0x720];
	_ =	sdelay $0x4  }
0x199: {  	[tilespmem:s30+$0x1420] =	vst v5  }
0x19a: {  	v5 =	vld [tilespmem:s24+$0x730];
	_ =	sdelay $0x4  }
0x19b: {  	[tilespmem:s30+$0x1430] =	vst v5  }
0x19c: {  	v5 =	vld [tilespmem:s24+$0x740];
	_ =	sdelay $0x4  }
0x19d: {  	[tilespmem:s30+$0x1440] =	vst v5  }
0x19e: {  	v5 =	vld [tilespmem:s24+$0x750];
	_ =	sdelay $0x4  }
0x19f: {  	[tilespmem:s30+$0x1450] =	vst v5  }
0x1a0: {  	v5 =	vld [tilespmem:s24+$0x760];
	_ =	sdelay $0x4  }
0x1a1: {  	[tilespmem:s30+$0x1460] =	vst v5  }
0x1a2: {  	v5 =	vld [tilespmem:s24+$0x770];
	_ =	sdelay $0x4  }
0x1a3: {  	[tilespmem:s30+$0x1470] =	vst v5  }
0x1a4: {  	v5 =	vld [tilespmem:s24+$0x780];
	_ =	sdelay $0x4  }
0x1a5: {  	[tilespmem:s30+$0x1800] =	vst v5  }
0x1a6: {  	v5 =	vld [tilespmem:s24+$0x790];
	_ =	sdelay $0x4  }
0x1a7: {  	[tilespmem:s30+$0x1810] =	vst v5  }
0x1a8: {  	v5 =	vld [tilespmem:s24+$0x7A0];
	_ =	sdelay $0x4  }
0x1a9: {  	[tilespmem:s30+$0x1820] =	vst v5  }
0x1aa: {  	v5 =	vld [tilespmem:s24+$0x7B0];
	_ =	sdelay $0x4  }
0x1ab: {  	[tilespmem:s30+$0x1830] =	vst v5  }
0x1ac: {  	v5 =	vld [tilespmem:s24+$0x7C0];
	_ =	sdelay $0x4  }
0x1ad: {  	[tilespmem:s30+$0x1840] =	vst v5  }
0x1ae: {  	v5 =	vld [tilespmem:s24+$0x7D0];
	_ =	sdelay $0x4  }
0x1af: {  	[tilespmem:s30+$0x1850] =	vst v5  }
0x1b0: {  	v5 =	vld [tilespmem:s24+$0x7E0];
	_ =	sdelay $0x4  }
0x1b1: {  	[tilespmem:s30+$0x1860] =	vst v5  }
0x1b2: {  	v5 =	vld [tilespmem:s24+$0x7F0];
	_ =	sdelay $0x4  }
0x1b3: {  	[tilespmem:s30+$0x1870] =	vst v5  }
0x1b4: {  	v5 =	vld [tilespmem:s24+$0x800];
	_ =	sdelay $0x4  }
0x1b5: {  	[tilespmem:s30+$0x1C00] =	vst v5  }
0x1b6: {  	v5 =	vld [tilespmem:s24+$0x810];
	_ =	sdelay $0x4  }
0x1b7: {  	[tilespmem:s30+$0x1C10] =	vst v5  }
0x1b8: {  	v5 =	vld [tilespmem:s24+$0x820];
	_ =	sdelay $0x4  }
0x1b9: {  	[tilespmem:s30+$0x1C20] =	vst v5  }
0x1ba: {  	v5 =	vld [tilespmem:s24+$0x830];
	_ =	sdelay $0x4  }
0x1bb: {  	[tilespmem:s30+$0x1C30] =	vst v5  }
0x1bc: {  	v5 =	vld [tilespmem:s24+$0x840];
	_ =	sdelay $0x4  }
0x1bd: {  	[tilespmem:s30+$0x1C40] =	vst v5  }
0x1be: {  	v5 =	vld [tilespmem:s24+$0x850];
	_ =	sdelay $0x4  }
0x1bf: {  	[tilespmem:s30+$0x1C50] =	vst v5  }
0x1c0: {  	v5 =	vld [tilespmem:s24+$0x860];
	_ =	sdelay $0x4  }
0x1c1: {  	[tilespmem:s30+$0x1C60] =	vst v5  }
0x1c2: {  	v5 =	vld [tilespmem:s24+$0x870];
	_ =	sdelay $0x4  }
0x1c3: {  	s2 =	simm.s32 $0x0;
	[tilespmem:s30+$0x1C70] =	vst v5  }
0x1c4: {  	v7 =	vld [tilespmem:s2+$0x0];
	_ =	sdelay $0x3  }
0x1c5: {  	v6 =	vmov s20  }
0x1c6: {  	vm2 =	veq.s32 v7, v6  }
0x1c7: {  	s31 =	smul.u32 $0x1100, s20;
	v7 =	vsel vm2, $0x1, v1  }
0x1c8: {  	(xrf0) =	vadd.scan.msk.s32 $0xffff, v7  }
0x1c9: {  	s1 =	sshra.s32 s31, $0x2  }
0x1ca: {  	s0 =	sadd.s32 $0x15880, s1  }
0x1cb: {  	v5 =	vmov s0;
	_ =	sdelay $0x2  }
0x1cc: {  	v7, _, _ =	vpop (xrf0)  }
0x1cd: {  	v8 =	vor.u32 s5, v0;
	s24 =	simm.s32 $0x0;
	(v2sf) =	vpush v7, $0xF  }
0x1ce: {  	s26 =	simm.s32 $0x80;
	s25 =	smov.u32 s5;
	s2 =	simm.s32 $0x10;
	[tilespmem:v5+s24+$0x0 ss:$0x1] =	vst.idx.msk vm2, v8  }
.LBB2_7:
0x1cf: {  	p0 =	sne.s32 s26, $0xFC0;
	v7 =	vld [tilespmem:s2+$0x0];
	_ =	sdelay $0x4  }
0x1d0: {  	vm2 =	veq.s32 v7, v6  }
0x1d1: {  	v7 =	vsel vm2, $0x1, v1  }
0x1d2: {  	(xrf0) =	vadd.scan.msk.s32 $0xffff, v7;
	_ =	sdelay $0x3  }
.Ltmp6:
0x1d3: {  	(pc) =	sbr.rel @p0 .LBB2_7-.Ltmp6, $4  }
0x1d4: {  	_ = 	snop  }
0x1d5: {  	s25 =	sadd.s32 $0x10, s25;
	v7, _, _ =	vpop (xrf0);
	s2 =	spop (v2sf)  }
0x1d6: {  	v8 =	vor.u32 s25, v0;
	(v2sf) =	vpush v7, $0xF;
	s24 =	sadd.s32 s24, s2  }
0x1d7: {  	s2 =	sshra.s32 s26, $0x2;
	s26 =	sadd.s32 $0x40, s26;
	[tilespmem:v5+s24+$0x0 ss:$0x1] =	vst.idx.msk vm2, v8  }
0x1d8: {  	v7 =	vld [tilespmem:s2+$0x0];
	_ =	sdelay $0x4  }
0x1d9: {  	vm2 =	veq.s32 v7, v6  }
0x1da: {  	v6 =	vsel vm2, $0x1, v1  }
0x1db: {  	(xrf0) =	vadd.scan.msk.s32 $0xffff, v6;
	_ =	sdelay $0x5  }
0x1dc: {  	v6, _, _ =	vpop (xrf0)  }
0x1dd: {  	(v2sf) =	vpush v6, $0xF;
	_ =	sdelay $0xb  }
0x1de: {  	s22 =	sadd.s32 $0x10, s25;
	s14 =	spop (v2sf)  }
0x1df: {  	v6 =	vor.u32 s22, v0;
	s2 =	sadd.s32 s24, s14  }
0x1e0: {  	[tilespmem:v5+s2+$0x0 ss:$0x1] =	vst.idx.msk vm2, v6  }
0x1e1: {  	v5 =	vld [tilespmem:s1+$0x15880];
	s25 =	spop (v2sf)  }
0x1e2: {  	s26 =	sadd.s32 s2, s25  }
0x1e3: {  	p0 =	slt.s32 s26, $0x10;
	s2 =	smov.u32 s26  }
0x1e4: {  	s2 =	simm.s32 @!p0 $0x10  }
0x1e5: {  	v6 =	vmov s2  }
0x1e6: {  	v5 =	vxor.u32 $0x80000000, v5;
	vm2 =	vgt.s32 v6, v0  }
0x1e7: {  	v5 =	vnsel vm2, $0xC0000000, v5  }
0x1e8: {  	(xrf0) =	vmin.scan.msk.u32 $0xffff, v5;
	_ =	sdelay $0x5  }
0x1e9: {  	v5, _, _ =	vpop (xrf0)  }
0x1ea: {  	(v2sf) =	vpush v5, $0xF;
	_ =	sdelay $0x9  }
0x1eb: {  	s28 =	sand.u32 $0xFFFFFFF0, s26  }
0x1ec: {  	s1 =	sadd.s32 $0xF, s26;
	s0 =	sadd.s32 s28, s0  }
0x1ed: {  	s24 =	sshra.s32 s1, $0x4;
	v5 =	vld [tilespmem:s0+$0x0]  }
0x1ee: {  	p0 =	slt.s32 s24, $0x1  }
.Ltmp7:
0x1ef: {  	s29 =	sand.u32 $0xF, s26;
	(pc) =	sbr.rel @p0 .LBB2_12-.Ltmp7, $4  }
0x1f0: {  	v6 =	vmov s29;
	s30 =	spop (v2sf)  }
0x1f1: {  	vm2 =	vgt.u32 v6, v0;
	s31 =	sxor.u32 $0x80000000, s30  }
0x1f2: {  	v5 =	vnsel vm2, s31, v5  }
0x1f3: {  	[tilespmem:s0+$0x0] =	vst v5  }
0x1f4: {  	v5 =	vld [tilespmem:s18+$0x0];
	_ =	sdelay $0x4  }
0x1f5: {  	v6 =	vshll.u32 v5, $0x3  }
0x1f6: {  	v5 =	vand.u32 $0x7, v5;
	v6 =	vand.u32 $0xFFFFFFC0, v6  }
0x1f7: {  	v5 =	vor.u32 v5, v6  }
0x1f8: {  	v6 =	vperm.xlane v5, v2;
	_ =	sdelay $0x1  }
0x1f9: {  	v6 =	vadd.s32 v3, v6;
	_ =	sdelay $0x4  }
0x1fa: {  	[hbm4b:s3+s4] =	stream.indirect_vreg.scatter [tilespmem:s21], [sflag:$0x1], $0x80, v6, vm1, $0xb8;
	[tilespmem:$0x16E00] =	vst v63  }
0x1fb: {  	s25 =	sadd.s32 $0x2080, s23;
	v5 =	vperm.xlane v5, v4  }
0x1fc: {  	[hbm4b:s8+s4] =	stream.indirect_vreg.scatter [tilespmem:s25], [sflag:$0x1], $0x80, v6, vm1, $0xb8;
	[tilespmem:$0x16E00] =	vst v63  }
0x1fd: {  	s26 =	sadd.s32 $0x2880, s23;
	v5 =	vadd.s32 v3, v5  }
0x1fe: {  	[hbm4b:s9+s4] =	stream.indirect_vreg.scatter [tilespmem:s26], [sflag:$0x1], $0x80, v6, vm1, $0xb8;
	[tilespmem:$0x16E00] =	vst v63  }
0x1ff: {  	s28 =	sadd.s32 $0x3080, s23  }
0x200: {  	[hbm4b:s10+s4] =	stream.indirect_vreg.scatter [tilespmem:s28], [sflag:$0x1], $0x80, v6, vm1, $0xb8;
	[tilespmem:$0x16E00] =	vst v63  }
0x201: {  	s29 =	sadd.s32 $0x3880, s23;
	s31 =	sadd.s32 $0x1, s19;
	s0 =	sadd.s32 $0xFFFFFFFF, s24  }
0x202: {  	[hbm4b:s3+s4] =	stream.indirect_vreg.scatter [tilespmem:s29], [sflag:$0x1], $0x80, v5, vm1, $0xb8;
	[tilespmem:$0x16E00] =	vst v63  }
0x203: {  	s30 =	sadd.s32 $0x4080, s23;
	s2 =	ssub.s32 s31, s13;
	p0 =	sne.s32 s0, $0x0  }
0x204: {  	[hbm4b:s8+s4] =	stream.indirect_vreg.scatter [tilespmem:s30], [sflag:$0x1], $0x80, v5, vm1, $0xb8;
	[tilespmem:$0x16E00] =	vst v63  }
.Ltmp8:
0x205: {  	s1 =	sadd.s32 $0x4880, s23;
	p1 =	slt.s32 s2, $0x19;
	(pc) =	sbr.rel @!p0 .LBB2_11-.Ltmp8, $4  }
0x206: {  	[hbm4b:s9+s4] =	stream.indirect_vreg.scatter [tilespmem:s1], [sflag:$0x1], $0x80, v5, vm1, $0xb8;
	[tilespmem:$0x16E00] =	vst v63  }
0x207: {  	s23 =	sadd.s32 $0x5080, s23;
	s2 =	simm.s32 @!p1 $0x1;
	s22 =	sadd.s32 @!p1 $0x1, s13  }
0x208: {  	[hbm4b:s10+s4] =	stream.indirect_vreg.scatter [tilespmem:s23], [sflag:$0x1], $0x80, v5, vm1, $0xb8;
	[tilespmem:$0x16E00] =	vst v63  }
0x209: {  	s22 =	smov.u32 @p1 s13;
	s13 =	sadd.s32 $0x10, s18;
	_ =	swait.ge @!p1 [sflag:s2], $0x4000  }
.LBB2_10:
0x20a: {  	s14 =	smov.u32 s22  }
0x20b: {  	s0 =	sadd.s32 $0xFFFFFFFF, s0;
	s31 =	sadd.s32 $0x1, s31;
	[sflag:s2] =	ssyncset.done @!p1 $0x0  }
0x20c: {  	p0 =	sne.s32 s0, $0x0;
	[sflag:s2] =	ssyncadd.s32 @!p1 $0xFFFFC000  }
0x20d: {  	v5 =	vld [tilespmem:s13+$0x0];
	_ =	sdelay $0x4  }
0x20e: {  	v6 =	vshll.u32 v5, $0x3  }
0x20f: {  	v5 =	vand.u32 $0x7, v5;
	v6 =	vand.u32 $0xFFFFFFC0, v6  }
0x210: {  	v5 =	vor.u32 v5, v6  }
0x211: {  	v6 =	vperm.xlane v5, v2;
	v5 =	vperm.xlane v5, v4;
	_ =	sdelay $0x1  }
0x212: {  	v6 =	vadd.s32 v3, v6;
	_ =	sdelay $0x4  }
0x213: {  	[hbm4b:s3+s4] =	stream.indirect_vreg.scatter [tilespmem:s21], [sflag:$0x1], $0x80, v6, vm1, $0xb8;
	[tilespmem:$0x16E00] =	vst v63  }
0x214: {  	_ = 	snop  }
0x215: {  	[hbm4b:s8+s4] =	stream.indirect_vreg.scatter [tilespmem:s25], [sflag:$0x1], $0x80, v6, vm1, $0xb8;
	[tilespmem:$0x16E00] =	vst v63  }
0x216: {  	v5 =	vadd.s32 v3, v5  }
0x217: {  	[hbm4b:s9+s4] =	stream.indirect_vreg.scatter [tilespmem:s26], [sflag:$0x1], $0x80, v6, vm1, $0xb8;
	[tilespmem:$0x16E00] =	vst v63  }
0x218: {  	_ = 	snop  }
0x219: {  	[hbm4b:s10+s4] =	stream.indirect_vreg.scatter [tilespmem:s28], [sflag:$0x1], $0x80, v6, vm1, $0xb8;
	[tilespmem:$0x16E00] =	vst v63  }
0x21a: {  	_ = 	snop  }
0x21b: {  	[hbm4b:s3+s4] =	stream.indirect_vreg.scatter [tilespmem:s29], [sflag:$0x1], $0x80, v5, vm1, $0xb8;
	[tilespmem:$0x16E00] =	vst v63  }
0x21c: {  	_ = 	snop  }
0x21d: {  	[hbm4b:s8+s4] =	stream.indirect_vreg.scatter [tilespmem:s30], [sflag:$0x1], $0x80, v5, vm1, $0xb8;
	[tilespmem:$0x16E00] =	vst v63  }
0x21e: {  	s2 =	ssub.s32 s31, s22  }
0x21f: {  	[hbm4b:s9+s4] =	stream.indirect_vreg.scatter [tilespmem:s1], [sflag:$0x1], $0x80, v5, vm1, $0xb8;
	[tilespmem:$0x16E00] =	vst v63  }
.Ltmp9:
0x220: {  	_ = 	snop;
	(pc) =	sbr.rel @p0 .LBB2_10-.Ltmp9, $4  }
0x221: {  	p1 =	slt.s32 s2, $0x19  }
0x222: {  	[hbm4b:s10+s4] =	stream.indirect_vreg.scatter [tilespmem:s23], [sflag:$0x1], $0x80, v5, vm1, $0xb8;
	[tilespmem:$0x16E00] =	vst v63  }
0x223: {  	s2 =	simm.s32 @!p1 $0x1;
	s22 =	sadd.s32 @!p1 $0x1, s22  }
0x224: {  	s13 =	sadd.s32 $0x10, s13;
	s22 =	smov.u32 @p1 s14;
	_ =	swait.ge @!p1 [sflag:s2], $0x4000  }
.Ltmp10:
0x225: {  	_ = 	snop;
	(pc) =	sbr.rel .LBB2_11-.Ltmp10, $1  }
0x226: {  	_ =	sdelay $0x3  }
.LBB2_13:
0x227: {  	s0 =	ssub.s32 s19, s13  }
0x228: {  	p0 =	slt.s32 s0, $0x1  }
.Ltmp11:
0x229: {  	_ = 	snop;
	(pc) =	sbr.rel @p0 .LBB2_17-.Ltmp11, $2  }
0x22a: {  	_ =	sdelay $0x2  }
0x22b: {  	s1 =	simm.s32 $0x0  }
0x22c: {  	s1 =	sadd.s32 $0x1, s1  }
0x22d: {  	p0 =	slt.s32 s1, s0  }
.Ltmp12:
0x22e: {  	_ = 	snop;
	(pc) =	sbr.rel @!p0 .LBB2_16-.Ltmp12, $3  }
0x22f: {  	_ =	sdelay $0x1  }
0x230: {  	_ =	swait.ge [sflag:s15], $0x4000  }
0x231: {  	[sflag:s15] =	ssyncset.done $0x0  }
.LBB2_15:
0x232: {  	s1 =	sadd.s32 $0x1, s1  }
0x233: {  	[sflag:s15] =	ssyncadd.s32 $0xFFFFC000;
	p0 =	slt.s32 s1, s0  }
.Ltmp13:
0x234: {  	(pc) =	sbr.rel @p0 .LBB2_15-.Ltmp13, $3  }
0x235: {  	_ =	sdelay $0x1  }
0x236: {  	_ =	swait.ge [sflag:s15], $0x4000  }
0x237: {  	[sflag:s15] =	ssyncset.done $0x0  }
.Ltmp14:
0x238: {  	_ = 	snop;
	(pc) =	sbr.rel .LBB2_16-.Ltmp14, $1  }
0x239: {  	_ =	sdelay $0x3  }
.LBB2_18:
0x23a: {  	_ =	sfence.sel $0x180000  }
0x23b: {  	[bflag:$0x0] =	sbarrier.arrive $0xFFFF  }
0x23c: {  	_ =	strace $0x90000047  }
0x23d: {  	s0 =	stileid.u32;
	[bflag:$0x2] =	sbarrier.arrive $0xFFFF  }
0x23e: {  	p0 =	sne.s32 s0, $0x0;
	s0 =	rddreg [dreg:$0x3]  }
0x23f: {  	s0 =	sadd.s32 @!p0 $0x100000, s0  }
0x240: {  	[sflag:s0] =	ssyncadd.tile.s32 @!p0 $0x1;
	_ =	shalt  }
.Lfunc_end2:
_tile_overlayer_lowered:
.L_overlay_start_2:
0x241: {  	(tag) =	ssettag $0x2  }
0x242: {  	s0 =	rddreg [dreg:$0x0];
	s2 =	stileid.u32  }
0x243: {  	s1 =	rddreg [dreg:$0x1];
	p0 =	sne.s32 s2, $0x0  }
0x244: {  	s3 =	rddreg [dreg:$0x2];
	[bflag:$0x3] =	sbarrier.arrive $0xFFFF;
	s2 =	simm.s32 @!p0 $0x1C02  }
0x245: {  	[timem:s3], [sflag:s2] =	dma.local @!p0 [hbm:s0], s1  }
0x246: {  	s0 =	simm.s32 @!p0 $0x2  }
0x247: {  	_ =	swait.ge @!p0 [sflag:s0], s1  }
0x248: {  	s1 =	ssub.s32 @!p0 $0x0, s1;
	[sflag:s0] =	ssyncset.done @!p0 $0x0  }
0x249: {  	[sflag:s0] =	ssyncadd.s32 @!p0 s1  }
0x24a: {  	[bflag:$0x3] =	sbarrier.arrive $0xFFFF  }
0x24b: {  	_ =	shalt  }

</sc_bundles>
